<compile_context>
chip_gen: v7x
topology: tpu7x:2x2x1
jax: 0.10.2.dev20260603
libtpu: 0.0.44.dev20260713+nightly
codegen_flags: <defaults>
</compile_context>

<pallas_src>
import functools

import jax
import jax.numpy as jnp
from jax import lax
from jax.experimental import pallas as pl
from jax.experimental.pallas import tpu as pltpu
from jax.experimental.pallas import tpu_sc as plsc

_NC = 2
_NS = 16
_NW = _NC * _NS
_LANES = 16
_GROUP = 8


def _pq_project(W_emb, W1, W2, b_att):
    Vtab = W_emb.shape[0]
    D = W1.shape[1]

    def body(wemb_ref, w1_ref, w2_ref, b_ref, tl_ref, ta_ref):
        w = wemb_ref[...]
        p = jnp.dot(w, w1_ref[...], preferred_element_type=jnp.float32) + b_ref[...]
        q = jnp.dot(w, w2_ref[...], preferred_element_type=jnp.float32)
        tl_ref[...] = jnp.concatenate([-2.0 * p, jnp.zeros_like(p)], axis=1)
        ta_ref[...] = jnp.concatenate([-2.0 * q, jnp.zeros_like(q)], axis=1)

    return pl.pallas_call(
        body,
        out_shape=[
            jax.ShapeDtypeStruct((Vtab, 2 * D), jnp.float32),
            jax.ShapeDtypeStruct((Vtab, 2 * D), jnp.float32),
        ],
    )(W_emb, W1, W2, b_att.reshape(1, D))


def _attention_emb(Tl, Ta, W_emb, v_att, lidx, aidx, vpad, A, D, E):
    cpt = vpad // _NW
    ngroups = cpt // _GROUP
    rows = _GROUP * A
    mesh = plsc.VectorSubcoreMesh(core_axis_name="c", subcore_axis_name="s")

    @functools.partial(
        pl.kernel,
        out_type=jax.ShapeDtypeStruct((vpad, E), jnp.float32),
        mesh=mesh,
        compiler_params=pltpu.CompilerParams(needs_layout_passes=False),
        scratch_types=[
            pltpu.VMEM((ngroups, rows), jnp.int32),
            pltpu.VMEM((ngroups, rows), jnp.int32),
            pltpu.VMEM((rows, 2 * D), jnp.float32),
            pltpu.VMEM((rows, 2 * D), jnp.float32),
            pltpu.VMEM((rows, E), jnp.float32),
            pltpu.VMEM((rows, E), jnp.float32),
            pltpu.VMEM((cpt, E), jnp.float32),
            pltpu.VMEM((A * A,), jnp.float32),
            pltpu.VMEM((A,), jnp.float32),
            pltpu.VMEM((D,), jnp.float32),
            pltpu.SemaphoreType.DMA,
            pltpu.SemaphoreType.DMA,
            pltpu.SemaphoreType.DMA,
            pltpu.SemaphoreType.DMA,
        ],
    )
    def attn(tl_hbm, ta_hbm, wemb_hbm, vatt_hbm, lidx_hbm, aidx_hbm, out_hbm,
             lidx_v, aidx_v, s_v0, s_v1, anc_v0, anc_v1, emb_v, r_v, att_v,
             vatt_v, sem_s0, sem_s1, sem_a0, sem_a1):
        wid = lax.axis_index("s") * _NC + lax.axis_index("c")
        pltpu.sync_copy(lidx_hbm.at[wid], lidx_v)
        pltpu.sync_copy(aidx_hbm.at[wid], aidx_v)
        pltpu.sync_copy(vatt_hbm, vatt_v)
        for j in range(D // _LANES):
            sl = pl.ds(j * _LANES, _LANES)
            vatt_v[sl] = vatt_v[sl] * 2.0
        lane_iota = lax.iota(jnp.int32, _LANES)
        s_bufs = (s_v0, s_v1)
        anc_bufs = (anc_v0, anc_v1)
        s_sems = (sem_s0, sem_s1)
        a_sems = (sem_a0, sem_a1)

        def issue_base(g, slot):
            pltpu.async_copy(tl_hbm.at[lidx_v.at[g]], s_bufs[slot], s_sems[slot])
            pltpu.async_copy(wemb_hbm.at[aidx_v.at[g]], anc_bufs[slot], a_sems[slot])

        def wait_s(g, slot):
            pltpu.make_async_copy(
                tl_hbm.at[lidx_v.at[g]], s_bufs[slot], s_sems[slot]
            ).wait()

        def wait_a(g, slot):
            pltpu.make_async_copy(
                wemb_hbm.at[aidx_v.at[g]], anc_bufs[slot], a_sems[slot]
            ).wait()

        def compute(g, slot):
            s_v = s_bufs[slot]
            anc_v = anc_bufs[slot]

            def code_body(c, _):
                row0 = c * A

                def mlp_body(a, _):
                    r = row0 + a
                    acc = jnp.zeros((_LANES,), jnp.float32)
                    for j in range(D // _LANES):
                        e = jnp.exp(s_v[r, pl.ds(j * _LANES, _LANES)])
                        acc = acc + vatt_v[pl.ds(j * _LANES, _LANES)] / (1.0 + e)
                    r_v[pl.ds(a * _LANES, _LANES)] = acc
                    return 0

                lax.fori_loop(0, A, mlp_body, 0, unroll=False)

                pre = jnp.zeros((_LANES,), jnp.float32)
                for l in range(A):
                    pre = pre + plsc.load_gather(r_v, [lane_iota * A + l])
                m = jnp.max(pre)
                e = jnp.exp(pre - m)
                att_v[...] = e / jnp.sum(e)

                def wsum_body(a, accs):
                    w = plsc.load_gather(att_v, [jnp.full((_LANES,), a, jnp.int32)])
                    r = row0 + a
                    return tuple(
                        accs[j] + w * anc_v[r, pl.ds(j * _LANES, _LANES)]
                        for j in range(E // _LANES)
                    )

                accs = lax.fori_loop(
                    0, A, wsum_body,
                    tuple(jnp.zeros((_LANES,), jnp.float32) for _ in range(E // _LANES)),
                    unroll=False,
                )
                code = g * _GROUP + c
                for j in range(E // _LANES):
                    emb_v[code, pl.ds(j * _LANES, _LANES)] = accs[j]
                return 0

            lax.fori_loop(0, _GROUP, code_body, 0, unroll=False)

        issue_base(0, 0)

        def pair_body(i, _):
            g0 = 2 * i
            g1 = g0 + 1
            wait_s(g0, 0)
            pltpu.async_copy(ta_hbm.at[aidx_v.at[g0]], s_v0, sem_s0, add=True)
            issue_base(g1, 1)
            wait_s(g0, 0)
            wait_a(g0, 0)
            compute(g0, 0)
            wait_s(g1, 1)
            pltpu.async_copy(ta_hbm.at[aidx_v.at[g1]], s_v1, sem_s1, add=True)

            @pl.when(g1 + 1 < ngroups)
            def _():
                issue_base(g1 + 1, 0)

            wait_s(g1, 1)
            wait_a(g1, 1)
            compute(g1, 1)
            return 0

        lax.fori_loop(0, ngroups // 2, pair_body, 0, unroll=False)
        pltpu.sync_copy(emb_v, out_hbm.at[pl.ds(wid * cpt, cpt)])

    return attn(Tl, Ta, W_emb, v_att, lidx, aidx)


def _sequence(emb, x, mask, W_ihT, W_hhT, b_ih, b_hh, W_output, b_output):
    T, B, V = x.shape
    E = emb.shape[1]
    H = W_hhT.shape[0]
    C = W_output.shape[1]
    mask3 = mask[:, :, None]

    def body(emb_ref, x_ref, m_ref, wih_ref, whh_ref, bih_ref, bhh_ref,
             wout_ref, bout_ref, y_ref, h_ref):
        t = pl.program_id(0)

        @pl.when(t == 0)
        def _():
            h_ref[...] = jnp.zeros_like(h_ref)

        xe = jnp.tanh(
            jnp.dot(x_ref[0], emb_ref[...], preferred_element_type=jnp.float32)
        )
        h = h_ref[...]
        gi = jnp.dot(xe, wih_ref[...], preferred_element_type=jnp.float32) + bih_ref[...]
        gh = jnp.dot(h, whh_ref[...], preferred_element_type=jnp.float32) + bhh_ref[...]
        r = jax.nn.sigmoid(gi[:, :H] + gh[:, :H])
        z = jax.nn.sigmoid(gi[:, H:2 * H] + gh[:, H:2 * H])
        n = jnp.tanh(gi[:, 2 * H:] + r * gh[:, 2 * H:])
        hnew = (1.0 - z) * n + z * h
        h_ref[...] = hnew
        nom = jnp.exp(
            jnp.dot(hnew, wout_ref[...], preferred_element_type=jnp.float32)
            + bout_ref[...]
        )
        y_ref[0] = nom / jnp.sum(nom, axis=1, keepdims=True) * m_ref[0]

    full = lambda shape: pl.BlockSpec(shape, lambda t: tuple(0 for _ in shape))
    return pl.pallas_call(
        body,
        grid=(T,),
        in_specs=[
            full(emb.shape),
            pl.BlockSpec((1, B, V), lambda t: (t, 0, 0)),
            pl.BlockSpec((1, B, 1), lambda t: (t, 0, 0)),
            full(W_ihT.shape),
            full(W_hhT.shape),
            full((1, 3 * H)),
            full((1, 3 * H)),
            full(W_output.shape),
            full((1, C)),
        ],
        out_specs=pl.BlockSpec((1, B, C), lambda t: (t, 0, 0)),
        out_shape=jax.ShapeDtypeStruct((T, B, C), jnp.float32),
        scratch_shapes=[pltpu.VMEM((B, H), jnp.float32)],
    )(emb, x, mask3, W_ihT, W_hhT, b_ih.reshape(1, 3 * H),
      b_hh.reshape(1, 3 * H), W_output, b_output.reshape(1, C))


def kernel(x, mask, leavesList, ancestorsList, W_emb, W_attention, b_attention,
           v_attention, W_ih, W_hh, b_ih, b_hh, W_output, b_output):
    T, B, V = x.shape
    A = leavesList.shape[2]
    E = W_emb.shape[1]
    D = W_attention.shape[1]

    Tl, Ta = _pq_project(W_emb, W_attention[:E], W_attention[E:], b_attention)

    vpad = -(-V // (_NW * _GROUP)) * (_NW * _GROUP)
    lidx = leavesList.reshape(V, A).astype(jnp.int32)
    aidx = ancestorsList.reshape(V, A).astype(jnp.int32)
    pad = vpad - V
    if pad:
        lidx = jnp.pad(lidx, ((0, pad), (0, 0)))
        aidx = jnp.pad(aidx, ((0, pad), (0, 0)))
    rows = _GROUP * A
    lidx = lidx.reshape(_NW, vpad // (_NW * _GROUP), rows)
    aidx = aidx.reshape(_NW, vpad // (_NW * _GROUP), rows)

    emb = _attention_emb(Tl, Ta, W_emb, v_attention, lidx, aidx, vpad, A, D, E)[:V]

    return _sequence(emb, x, mask, W_ih.T, W_hh.T, b_ih, b_hh, W_output, b_output)

# --- scband reference (transcript-rebuilt; emitter-appended) ---
"""Pipeline reference for scband-gram-84516366450884 (READ-ONLY COPY).

The authoritative reference and input builder live on the scoring server;
editing this copy changes nothing except your own understanding.
"""

import jax, jax.numpy as jnp
import numpy as np

T, B, V, NA, E, H, D, C, A = 50, 16, 10000, 2000, 128, 256, 64, 256, 16


def setup_inputs(seed: int = 0):
    key = jax.random.key(seed)
    ks = jax.random.split(key, 12)
    x = jax.random.uniform(ks[0], (T, B, V), dtype=jnp.float32)
    mask = jnp.ones((T, B), dtype=jnp.float32)
    leavesList = jax.random.randint(ks[1], (1, V, A), 0, V)
    ancestorsList = jax.random.randint(ks[2], (1, V, A), 0, V + NA)
    W_emb = jax.random.uniform(ks[3], (V + NA, E), dtype=jnp.float32)
    W_attention = jax.random.uniform(ks[4], (2 * E, D), dtype=jnp.float32) * 0.05
    b_attention = jnp.zeros((D,), dtype=jnp.float32)
    v_attention = jax.random.uniform(ks[5], (D,), dtype=jnp.float32)
    s = 1.0 / np.sqrt(H)
    W_ih = jax.random.uniform(ks[6], (3 * H, E), minval=-s, maxval=s, dtype=jnp.float32)
    W_hh = jax.random.uniform(ks[7], (3 * H, H), minval=-s, maxval=s, dtype=jnp.float32)
    b_ih = jax.random.uniform(ks[8], (3 * H,), minval=-s, maxval=s, dtype=jnp.float32)
    b_hh = jax.random.uniform(ks[9], (3 * H,), minval=-s, maxval=s, dtype=jnp.float32)
    W_output = jax.random.uniform(ks[10], (H, C), dtype=jnp.float32) * 0.01
    b_output = jnp.zeros((C,), dtype=jnp.float32)
    return {"x": x, "mask": mask, "leavesList": leavesList, "ancestorsList": ancestorsList,
            "W_emb": W_emb, "W_attention": W_attention, "b_attention": b_attention,
            "v_attention": v_attention, "W_ih": W_ih, "W_hh": W_hh, "b_ih": b_ih,
            "b_hh": b_hh, "W_output": W_output, "b_output": b_output}


def reference(x, mask, leavesList, ancestorsList, W_emb, W_attention, b_attention,
              v_attention, W_ih, W_hh, b_ih, b_hh, W_output, b_output):
    # Graph-based attention over the ontology: gather leaf + ancestor embeddings
    leave_tmp = jnp.take(W_emb, leavesList, axis=0)      # [G, n, a, E]
    anc_tmp = jnp.take(W_emb, ancestorsList, axis=0)     # [G, n, a, E]
    attn_in = jnp.concatenate([leave_tmp, anc_tmp], axis=-1)  # [G, n, a, 2E]
    mlp = jnp.tanh(attn_in @ W_attention + b_attention)  # [G, n, a, D]
    pre = mlp @ v_attention                              # [G, n, a]
    att = jax.nn.softmax(pre, axis=2)                    # softmax over ancestors
    emb = (anc_tmp * att[..., None]).sum(axis=2)         # [G, n, E]
    emb = emb.reshape(-1, W_emb.shape[1])                # [V, E]
    # visit embedding
    x_emb = jnp.tanh(x @ emb)                            # [T, B, E]
    # single-layer GRU (PyTorch gate ordering: r, z, n)
    h0 = jnp.zeros((x.shape[1], W_hh.shape[1]), dtype=x.dtype)

    def step(h, xt):
        gi = xt @ W_ih.T + b_ih
        gh = h @ W_hh.T + b_hh
        ir, iz, inn = jnp.split(gi, 3, axis=-1)
        hr, hz, hn = jnp.split(gh, 3, axis=-1)
        r = jax.nn.sigmoid(ir + hr)
        z = jax.nn.sigmoid(iz + hz)
        n = jnp.tanh(inn + r * hn)
        hnew = (1.0 - z) * n + z * h
        return hnew, hnew

    _, hidden = jax.lax.scan(step, h0, x_emb)            # [T, B, H]
    # dropout_rate = 0.0 -> identity
    nom = jnp.exp(hidden @ W_output + b_output)
    denom = jnp.sum(nom, axis=2, keepdims=True)
    out = nom / denom
    y = out * mask[:, :, None]
    return y

if __name__ == "__main__":
    import jax
    _d = setup_inputs()
    print(jax.jit(kernel)(*tuple(_d.values())))

</pallas_src>

<mosaic_0001>
#map = affine_map<(d0, d1) -> (0, 0)>
#map1 = affine_map<(d0, d1) -> (0)>
#map2 = affine_map<(d0, d1) -> (0, 0, 0)>
module attributes {stable_mosaic.version = 14 : i64} {
  func.func @attn(%arg0: i32, %arg1: i32, %arg2: memref<12000x128xf32, #tpu.memory_space<hbm>>, %arg3: memref<12000x128xf32, #tpu.memory_space<hbm>>, %arg4: memref<12000x128xf32, #tpu.memory_space<hbm>>, %arg5: memref<64xf32, #tpu.memory_space<hbm>>, %arg6: memref<32x40x128xi32, #tpu.memory_space<hbm>>, %arg7: memref<32x40x128xi32, #tpu.memory_space<hbm>>, %arg8: memref<10240x128xf32, #tpu.memory_space<hbm>>, %arg9: memref<40x128xi32, #tpu.memory_space<vmem>>, %arg10: memref<40x128xi32, #tpu.memory_space<vmem>>, %arg11: memref<128x128xf32, #tpu.memory_space<vmem>>, %arg12: memref<128x128xf32, #tpu.memory_space<vmem>>, %arg13: memref<128x128xf32, #tpu.memory_space<vmem>>, %arg14: memref<128x128xf32, #tpu.memory_space<vmem>>, %arg15: memref<320x128xf32, #tpu.memory_space<vmem>>, %arg16: memref<256xf32, #tpu.memory_space<vmem>>, %arg17: memref<16xf32, #tpu.memory_space<vmem>>, %arg18: memref<64xf32, #tpu.memory_space<vmem>>, %arg19: memref<!tpu.dma_semaphore, #tpu.memory_space<semaphore_mem>>, %arg20: memref<!tpu.dma_semaphore, #tpu.memory_space<semaphore_mem>>, %arg21: memref<!tpu.dma_semaphore, #tpu.memory_space<semaphore_mem>>, %arg22: memref<!tpu.dma_semaphore, #tpu.memory_space<semaphore_mem>>) attributes {dimension_semantics = [#tpu.dimension_semantics<core_parallel>, #tpu.dimension_semantics<subcore_parallel>], iteration_bounds = array<i64: 2, 16>, scalar_prefetch = 0 : i64, scratch_operands = 14 : i64, tpu.core_type = #tpu.core_type<sc_vector_subcore>, window_params = [{transform_indices = #map}, {transform_indices = #map}, {transform_indices = #map}, {transform_indices = #map1}, {transform_indices = #map2}, {transform_indices = #map2}, {transform_indices = #map}]} {
    %mul3A = arith.constant 2 : i32
    %mul3A_0 = arith.muli %arg1, %mul3A : i32
    %add3A = arith.addi %mul3A_0, %arg0 : i32
    "tpu.region"() ({
      %run_scoped3A = tpu.sem_alloc : memref<!tpu.dma_semaphore, #tpu.memory_space<semaphore_mem>>
      %dma_start3A_48 = arith.constant 0 : i32
      %dma_start3A_49 = arith.constant 0 : i32
      %dma_start3A_50 = tpu.memref_slice %arg6[%add3A, %dma_start3A_48, %dma_start3A_49] : memref<32x40x128xi32, #tpu.memory_space<hbm>> -> memref<1x40x128xi32, #tpu.memory_space<hbm>>
      %dma_start3A_51 = tpu.memref_squeeze %dma_start3A_50 : memref<1x40x128xi32, #tpu.memory_space<hbm>> -> memref<40x128xi32, #tpu.memory_space<hbm>>
      %dma_start3A_52 = arith.constant 0 : i32
      %dma_start3A_53 = arith.constant 0 : i32
      %dma_start3A_54 = tpu.memref_slice %arg6[%add3A, %dma_start3A_52, %dma_start3A_53] : memref<32x40x128xi32, #tpu.memory_space<hbm>> -> memref<1x40x128xi32, #tpu.memory_space<hbm>>
      %dma_start3A_55 = tpu.memref_squeeze %dma_start3A_54 : memref<1x40x128xi32, #tpu.memory_space<hbm>> -> memref<40x128xi32, #tpu.memory_space<hbm>>
      tpu.enqueue_dma source(%dma_start3A_55 : memref<40x128xi32, #tpu.memory_space<hbm>>) target(%arg9 : memref<40x128xi32, #tpu.memory_space<vmem>>) target_semaphore(%run_scoped3A : memref<!tpu.dma_semaphore, #tpu.memory_space<semaphore_mem>>)
      %dma_wait3A = arith.constant 0 : i32
      %dma_wait3A_56 = arith.constant 0 : i32
      %dma_wait3A_57 = tpu.memref_slice %arg6[%add3A, %dma_wait3A, %dma_wait3A_56] : memref<32x40x128xi32, #tpu.memory_space<hbm>> -> memref<1x40x128xi32, #tpu.memory_space<hbm>>
      %dma_wait3A_58 = tpu.memref_squeeze %dma_wait3A_57 : memref<1x40x128xi32, #tpu.memory_space<hbm>> -> memref<40x128xi32, #tpu.memory_space<hbm>>
      %dma_wait3A_59 = arith.constant 0 : i32
      %dma_wait3A_60 = arith.constant 0 : i32
      %dma_wait3A_61 = tpu.memref_slice %arg6[%add3A, %dma_wait3A_59, %dma_wait3A_60] : memref<32x40x128xi32, #tpu.memory_space<hbm>> -> memref<1x40x128xi32, #tpu.memory_space<hbm>>
      %dma_wait3A_62 = tpu.memref_squeeze %dma_wait3A_61 : memref<1x40x128xi32, #tpu.memory_space<hbm>> -> memref<40x128xi32, #tpu.memory_space<hbm>>
      tpu.wait_dma2 semaphore(%run_scoped3A : memref<!tpu.dma_semaphore, #tpu.memory_space<semaphore_mem>>) src(%dma_wait3A_62 : memref<40x128xi32, #tpu.memory_space<hbm>>) dst(%arg9 : memref<40x128xi32, #tpu.memory_space<vmem>>)
      tpu.yield
    }) : () -> ()
    "tpu.region"() ({
      %run_scoped3A = tpu.sem_alloc : memref<!tpu.dma_semaphore, #tpu.memory_space<semaphore_mem>>
      %dma_start3A_48 = arith.constant 0 : i32
      %dma_start3A_49 = arith.constant 0 : i32
      %dma_start3A_50 = tpu.memref_slice %arg7[%add3A, %dma_start3A_48, %dma_start3A_49] : memref<32x40x128xi32, #tpu.memory_space<hbm>> -> memref<1x40x128xi32, #tpu.memory_space<hbm>>
      %dma_start3A_51 = tpu.memref_squeeze %dma_start3A_50 : memref<1x40x128xi32, #tpu.memory_space<hbm>> -> memref<40x128xi32, #tpu.memory_space<hbm>>
      %dma_start3A_52 = arith.constant 0 : i32
      %dma_start3A_53 = arith.constant 0 : i32
      %dma_start3A_54 = tpu.memref_slice %arg7[%add3A, %dma_start3A_52, %dma_start3A_53] : memref<32x40x128xi32, #tpu.memory_space<hbm>> -> memref<1x40x128xi32, #tpu.memory_space<hbm>>
      %dma_start3A_55 = tpu.memref_squeeze %dma_start3A_54 : memref<1x40x128xi32, #tpu.memory_space<hbm>> -> memref<40x128xi32, #tpu.memory_space<hbm>>
      tpu.enqueue_dma source(%dma_start3A_55 : memref<40x128xi32, #tpu.memory_space<hbm>>) target(%arg10 : memref<40x128xi32, #tpu.memory_space<vmem>>) target_semaphore(%run_scoped3A : memref<!tpu.dma_semaphore, #tpu.memory_space<semaphore_mem>>)
      %dma_wait3A = arith.constant 0 : i32
      %dma_wait3A_56 = arith.constant 0 : i32
      %dma_wait3A_57 = tpu.memref_slice %arg7[%add3A, %dma_wait3A, %dma_wait3A_56] : memref<32x40x128xi32, #tpu.memory_space<hbm>> -> memref<1x40x128xi32, #tpu.memory_space<hbm>>
      %dma_wait3A_58 = tpu.memref_squeeze %dma_wait3A_57 : memref<1x40x128xi32, #tpu.memory_space<hbm>> -> memref<40x128xi32, #tpu.memory_space<hbm>>
      %dma_wait3A_59 = arith.constant 0 : i32
      %dma_wait3A_60 = arith.constant 0 : i32
      %dma_wait3A_61 = tpu.memref_slice %arg7[%add3A, %dma_wait3A_59, %dma_wait3A_60] : memref<32x40x128xi32, #tpu.memory_space<hbm>> -> memref<1x40x128xi32, #tpu.memory_space<hbm>>
      %dma_wait3A_62 = tpu.memref_squeeze %dma_wait3A_61 : memref<1x40x128xi32, #tpu.memory_space<hbm>> -> memref<40x128xi32, #tpu.memory_space<hbm>>
      tpu.wait_dma2 semaphore(%run_scoped3A : memref<!tpu.dma_semaphore, #tpu.memory_space<semaphore_mem>>) src(%dma_wait3A_62 : memref<40x128xi32, #tpu.memory_space<hbm>>) dst(%arg10 : memref<40x128xi32, #tpu.memory_space<vmem>>)
      tpu.yield
    }) : () -> ()
    "tpu.region"() ({
      %run_scoped3A = tpu.sem_alloc : memref<!tpu.dma_semaphore, #tpu.memory_space<semaphore_mem>>
      tpu.enqueue_dma source(%arg5 : memref<64xf32, #tpu.memory_space<hbm>>) target(%arg18 : memref<64xf32, #tpu.memory_space<vmem>>) target_semaphore(%run_scoped3A : memref<!tpu.dma_semaphore, #tpu.memory_space<semaphore_mem>>)
      tpu.wait_dma2 semaphore(%run_scoped3A : memref<!tpu.dma_semaphore, #tpu.memory_space<semaphore_mem>>) src(%arg5 : memref<64xf32, #tpu.memory_space<hbm>>) dst(%arg18 : memref<64xf32, #tpu.memory_space<vmem>>)
      tpu.yield
    }) : () -> ()
    %get3A = arith.constant 0 : index
    %get3A_1 = tpu.vector_load %arg18[%get3A] {strides = array<i32>} : memref<64xf32, #tpu.memory_space<vmem>>, vector<16xf32>,
    %mul3A_2 = arith.constant 2.000000e+00 : f32
    %mul3A_3 = vector.broadcast %mul3A_2 : f32 to vector<16xf32>
    %mul3A_4 = arith.mulf %get3A_1, %mul3A_3 : vector<16xf32>
    %swap3A = arith.constant 0 : index
    %swap3A_5 = tpu.vector_load %arg18[%swap3A] {strides = array<i32>} : memref<64xf32, #tpu.memory_space<vmem>>, vector<16xf32>,
    tpu.vector_store %arg18[%swap3A], %mul3A_4 {strides = array<i32>} : memref<64xf32, #tpu.memory_space<vmem>>, vector<16xf32>,
    %get3A_6 = arith.constant 16 : index
    %get3A_7 = tpu.vector_load %arg18[%get3A_6] {strides = array<i32>} : memref<64xf32, #tpu.memory_space<vmem>>, vector<16xf32>,
    %mul3A_8 = arith.constant 2.000000e+00 : f32
    %mul3A_9 = vector.broadcast %mul3A_8 : f32 to vector<16xf32>
    %mul3A_10 = arith.mulf %get3A_7, %mul3A_9 : vector<16xf32>
    %swap3A_11 = arith.constant 16 : index
    %swap3A_12 = tpu.vector_load %arg18[%swap3A_11] {strides = array<i32>} : memref<64xf32, #tpu.memory_space<vmem>>, vector<16xf32>,
    tpu.vector_store %arg18[%swap3A_11], %mul3A_10 {strides = array<i32>} : memref<64xf32, #tpu.memory_space<vmem>>, vector<16xf32>,
    %get3A_13 = arith.constant 32 : index
    %get3A_14 = tpu.vector_load %arg18[%get3A_13] {strides = array<i32>} : memref<64xf32, #tpu.memory_space<vmem>>, vector<16xf32>,
    %mul3A_15 = arith.constant 2.000000e+00 : f32
    %mul3A_16 = vector.broadcast %mul3A_15 : f32 to vector<16xf32>
    %mul3A_17 = arith.mulf %get3A_14, %mul3A_16 : vector<16xf32>
    %swap3A_18 = arith.constant 32 : index
    %swap3A_19 = tpu.vector_load %arg18[%swap3A_18] {strides = array<i32>} : memref<64xf32, #tpu.memory_space<vmem>>, vector<16xf32>,
    tpu.vector_store %arg18[%swap3A_18], %mul3A_17 {strides = array<i32>} : memref<64xf32, #tpu.memory_space<vmem>>, vector<16xf32>,
    %get3A_20 = arith.constant 48 : index
    %get3A_21 = tpu.vector_load %arg18[%get3A_20] {strides = array<i32>} : memref<64xf32, #tpu.memory_space<vmem>>, vector<16xf32>,
    %mul3A_22 = arith.constant 2.000000e+00 : f32
    %mul3A_23 = vector.broadcast %mul3A_22 : f32 to vector<16xf32>
    %mul3A_24 = arith.mulf %get3A_21, %mul3A_23 : vector<16xf32>
    %swap3A_25 = arith.constant 48 : index
    %swap3A_26 = tpu.vector_load %arg18[%swap3A_25] {strides = array<i32>} : memref<64xf32, #tpu.memory_space<vmem>>, vector<16xf32>,
    tpu.vector_store %arg18[%swap3A_25], %mul3A_24 {strides = array<i32>} : memref<64xf32, #tpu.memory_space<vmem>>, vector<16xf32>,
    %iota3A = tpu.iota {dimensions = array<i32: 0>} : vector<16xi32>
    %dma_start3A = arith.constant 0 : i32
    %dma_start3A_27 = arith.constant 0 : i32
    %dma_start3A_28 = tpu.memref_slice %arg9[%dma_start3A, %dma_start3A_27] : memref<40x128xi32, #tpu.memory_space<vmem>> -> memref<1x128xi32, #tpu.memory_space<vmem>>
    %dma_start3A_29 = tpu.memref_squeeze %dma_start3A_28 : memref<1x128xi32, #tpu.memory_space<vmem>> -> memref<128xi32, #tpu.memory_space<vmem>>
    %dma_start3A_30 = arith.constant 0 : i32
    %dma_start3A_31 = arith.constant 0 : i32
    %dma_start3A_32 = tpu.memref_slice %arg2[%dma_start3A_30, %dma_start3A_31] : memref<12000x128xf32, #tpu.memory_space<hbm>> -> memref<12000x128xf32, #tpu.memory_space<hbm>>
    tpu.enqueue_indirect_dma source(%dma_start3A_32 : memref<12000x128xf32, #tpu.memory_space<hbm>>) target(%arg11 : memref<128x128xf32, #tpu.memory_space<vmem>>) offsets(%dma_start3A_29 : memref<128xi32, #tpu.memory_space<vmem>>) semaphore(%arg19 : memref<!tpu.dma_semaphore, #tpu.memory_space<semaphore_mem>>)
    %dma_start3A_33 = arith.constant 0 : i32
    %dma_start3A_34 = arith.constant 0 : i32
    %dma_start3A_35 = tpu.memref_slice %arg10[%dma_start3A_33, %dma_start3A_34] : memref<40x128xi32, #tpu.memory_space<vmem>> -> memref<1x128xi32, #tpu.memory_space<vmem>>
    %dma_start3A_36 = tpu.memref_squeeze %dma_start3A_35 : memref<1x128xi32, #tpu.memory_space<vmem>> -> memref<128xi32, #tpu.memory_space<vmem>>
    %dma_start3A_37 = arith.constant 0 : i32
    %dma_start3A_38 = arith.constant 0 : i32
    %dma_start3A_39 = tpu.memref_slice %arg4[%dma_start3A_37, %dma_start3A_38] : memref<12000x128xf32, #tpu.memory_space<hbm>> -> memref<12000x128xf32, #tpu.memory_space<hbm>>
    tpu.enqueue_indirect_dma source(%dma_start3A_39 : memref<12000x128xf32, #tpu.memory_space<hbm>>) target(%arg13 : memref<128x128xf32, #tpu.memory_space<vmem>>) offsets(%dma_start3A_36 : memref<128xi32, #tpu.memory_space<vmem>>) semaphore(%arg21 : memref<!tpu.dma_semaphore, #tpu.memory_space<semaphore_mem>>)
    %scan3A = arith.constant 0 : i32
    %scan3A_40 = arith.constant 0 : i32
    %scan3A_41 = arith.constant 20 : i32
    %scan3A_42 = arith.addi %scan3A_40, %scan3A_41 : i32
    %scan3A_43 = arith.constant 1 : i32
    %scan3A_44 = scf.for %scan3A_48 = %scan3A_40 to %scan3A_42 step %scan3A_43 iter_args(%scan3A_49 = %scan3A) -> (i32)  : i32 {
      %mul3A_50 = arith.constant 2 : i32
      %mul3A_51 = arith.muli %mul3A_50, %scan3A_48 : i32
      %add3A_52 = arith.constant 1 : i32
      %add3A_53 = arith.addi %mul3A_51, %add3A_52 : i32
      %dma_wait3A = arith.constant 0 : i32
      %dma_wait3A_54 = tpu.memref_slice %arg9[%mul3A_51, %dma_wait3A] : memref<40x128xi32, #tpu.memory_space<vmem>> -> memref<1x128xi32, #tpu.memory_space<vmem>>
      %dma_wait3A_55 = tpu.memref_squeeze %dma_wait3A_54 : memref<1x128xi32, #tpu.memory_space<vmem>> -> memref<128xi32, #tpu.memory_space<vmem>>
      %dma_wait3A_56 = arith.constant 0 : i32
      %dma_wait3A_57 = arith.constant 0 : i32
      %dma_wait3A_58 = tpu.memref_slice %arg2[%dma_wait3A_56, %dma_wait3A_57] : memref<12000x128xf32, #tpu.memory_space<hbm>> -> memref<12000x128xf32, #tpu.memory_space<hbm>>
      tpu.wait_indirect_dma semaphore(%arg19 : memref<!tpu.dma_semaphore, #tpu.memory_space<semaphore_mem>>) src(%dma_wait3A_58 : memref<12000x128xf32, #tpu.memory_space<hbm>>) dst(%arg11 : memref<128x128xf32, #tpu.memory_space<vmem>>)
      %dma_start3A_59 = arith.constant 0 : i32
      %dma_start3A_60 = tpu.memref_slice %arg10[%mul3A_51, %dma_start3A_59] : memref<40x128xi32, #tpu.memory_space<vmem>> -> memref<1x128xi32, #tpu.memory_space<vmem>>
      %dma_start3A_61 = tpu.memref_squeeze %dma_start3A_60 : memref<1x128xi32, #tpu.memory_space<vmem>> -> memref<128xi32, #tpu.memory_space<vmem>>
      %dma_start3A_62 = arith.constant 0 : i32
      %dma_start3A_63 = arith.constant 0 : i32
      %dma_start3A_64 = tpu.memref_slice %arg3[%dma_start3A_62, %dma_start3A_63] : memref<12000x128xf32, #tpu.memory_space<hbm>> -> memref<12000x128xf32, #tpu.memory_space<hbm>>
      tpu.enqueue_indirect_dma source(%dma_start3A_64 : memref<12000x128xf32, #tpu.memory_space<hbm>>) target(%arg11 : memref<128x128xf32, #tpu.memory_space<vmem>>) offsets(%dma_start3A_61 : memref<128xi32, #tpu.memory_space<vmem>>) semaphore(%arg19 : memref<!tpu.dma_semaphore, #tpu.memory_space<semaphore_mem>>) {add = true}
      %dma_start3A_65 = arith.constant 0 : i32
      %dma_start3A_66 = tpu.memref_slice %arg9[%add3A_53, %dma_start3A_65] : memref<40x128xi32, #tpu.memory_space<vmem>> -> memref<1x128xi32, #tpu.memory_space<vmem>>
      %dma_start3A_67 = tpu.memref_squeeze %dma_start3A_66 : memref<1x128xi32, #tpu.memory_space<vmem>> -> memref<128xi32, #tpu.memory_space<vmem>>
      %dma_start3A_68 = arith.constant 0 : i32
      %dma_start3A_69 = arith.constant 0 : i32
      %dma_start3A_70 = tpu.memref_slice %arg2[%dma_start3A_68, %dma_start3A_69] : memref<12000x128xf32, #tpu.memory_space<hbm>> -> memref<12000x128xf32, #tpu.memory_space<hbm>>
      tpu.enqueue_indirect_dma source(%dma_start3A_70 : memref<12000x128xf32, #tpu.memory_space<hbm>>) target(%arg12 : memref<128x128xf32, #tpu.memory_space<vmem>>) offsets(%dma_start3A_67 : memref<128xi32, #tpu.memory_space<vmem>>) semaphore(%arg20 : memref<!tpu.dma_semaphore, #tpu.memory_space<semaphore_mem>>)
      %dma_start3A_71 = arith.constant 0 : i32
      %dma_start3A_72 = tpu.memref_slice %arg10[%add3A_53, %dma_start3A_71] : memref<40x128xi32, #tpu.memory_space<vmem>> -> memref<1x128xi32, #tpu.memory_space<vmem>>
      %dma_start3A_73 = tpu.memref_squeeze %dma_start3A_72 : memref<1x128xi32, #tpu.memory_space<vmem>> -> memref<128xi32, #tpu.memory_space<vmem>>
      %dma_start3A_74 = arith.constant 0 : i32
      %dma_start3A_75 = arith.constant 0 : i32
      %dma_start3A_76 = tpu.memref_slice %arg4[%dma_start3A_74, %dma_start3A_75] : memref<12000x128xf32, #tpu.memory_space<hbm>> -> memref<12000x128xf32, #tpu.memory_space<hbm>>
      tpu.enqueue_indirect_dma source(%dma_start3A_76 : memref<12000x128xf32, #tpu.memory_space<hbm>>) target(%arg14 : memref<128x128xf32, #tpu.memory_space<vmem>>) offsets(%dma_start3A_73 : memref<128xi32, #tpu.memory_space<vmem>>) semaphore(%arg22 : memref<!tpu.dma_semaphore, #tpu.memory_space<semaphore_mem>>)
      %dma_wait3A_77 = arith.constant 0 : i32
      %dma_wait3A_78 = tpu.memref_slice %arg9[%mul3A_51, %dma_wait3A_77] : memref<40x128xi32, #tpu.memory_space<vmem>> -> memref<1x128xi32, #tpu.memory_space<vmem>>
      %dma_wait3A_79 = tpu.memref_squeeze %dma_wait3A_78 : memref<1x128xi32, #tpu.memory_space<vmem>> -> memref<128xi32, #tpu.memory_space<vmem>>
      %dma_wait3A_80 = arith.constant 0 : i32
      %dma_wait3A_81 = arith.constant 0 : i32
      %dma_wait3A_82 = tpu.memref_slice %arg2[%dma_wait3A_80, %dma_wait3A_81] : memref<12000x128xf32, #tpu.memory_space<hbm>> -> memref<12000x128xf32, #tpu.memory_space<hbm>>
      tpu.wait_indirect_dma semaphore(%arg19 : memref<!tpu.dma_semaphore, #tpu.memory_space<semaphore_mem>>) src(%dma_wait3A_82 : memref<12000x128xf32, #tpu.memory_space<hbm>>) dst(%arg11 : memref<128x128xf32, #tpu.memory_space<vmem>>)
      %dma_wait3A_83 = arith.constant 0 : i32
      %dma_wait3A_84 = tpu.memref_slice %arg10[%mul3A_51, %dma_wait3A_83] : memref<40x128xi32, #tpu.memory_space<vmem>> -> memref<1x128xi32, #tpu.memory_space<vmem>>
      %dma_wait3A_85 = tpu.memref_squeeze %dma_wait3A_84 : memref<1x128xi32, #tpu.memory_space<vmem>> -> memref<128xi32, #tpu.memory_space<vmem>>
      %dma_wait3A_86 = arith.constant 0 : i32
      %dma_wait3A_87 = arith.constant 0 : i32
      %dma_wait3A_88 = tpu.memref_slice %arg4[%dma_wait3A_86, %dma_wait3A_87] : memref<12000x128xf32, #tpu.memory_space<hbm>> -> memref<12000x128xf32, #tpu.memory_space<hbm>>
      tpu.wait_indirect_dma semaphore(%arg21 : memref<!tpu.dma_semaphore, #tpu.memory_space<semaphore_mem>>) src(%dma_wait3A_88 : memref<12000x128xf32, #tpu.memory_space<hbm>>) dst(%arg13 : memref<128x128xf32, #tpu.memory_space<vmem>>)
      %scan3A_89 = arith.constant 0 : i32
      %scan3A_90 = arith.constant 0 : i32
      %scan3A_91 = arith.constant 8 : i32
      %scan3A_92 = arith.addi %scan3A_90, %scan3A_91 : i32
      %scan3A_93 = arith.constant 1 : i32
      %scan3A_94 = scf.for %scan3A_132 = %scan3A_90 to %scan3A_92 step %scan3A_93 iter_args(%scan3A_133 = %scan3A_89) -> (i32)  : i32 {
        %mul3A_134 = arith.constant 16 : i32
        %mul3A_135 = arith.muli %scan3A_132, %mul3A_134 : i32
        %scan3A_136 = arith.constant 0 : i32
        %scan3A_137 = arith.constant 0 : i32
        %scan3A_138 = arith.constant 16 : i32
        %scan3A_139 = arith.addi %scan3A_137, %scan3A_138 : i32
        %scan3A_140 = arith.constant 1 : i32
        %scan3A_141 = scf.for %scan3A_331 = %scan3A_137 to %scan3A_139 step %scan3A_140 iter_args(%scan3A_332 = %scan3A_136) -> (i32)  : i32 {
          %add3A_333 = arith.addi %mul3A_135, %scan3A_331 : i32
          %broadcast_in_dim3A_334 = arith.constant 0.000000e+00 : f32
          %broadcast_in_dim3A_335 = vector.broadcast %broadcast_in_dim3A_334 : f32 to vector<16xf32>
          %get3A_336 = arith.index_cast %add3A_333 : i32 to index
          %get3A_337 = arith.constant 0 : index
          %get3A_338 = tpu.vector_load %arg11[%get3A_336, %get3A_337] {strides = array<i32>} : memref<128x128xf32, #tpu.memory_space<vmem>>, vector<16xf32>,
          %exp3A_339 = math.exp %get3A_338 : vector<16xf32>
          %get3A_340 = arith.constant 0 : index
          %get3A_341 = tpu.vector_load %arg18[%get3A_340] {strides = array<i32>} : memref<64xf32, #tpu.memory_space<vmem>>, vector<16xf32>,
          %add3A_342 = arith.constant 1.000000e+00 : f32
          %add3A_343 = vector.broadcast %add3A_342 : f32 to vector<16xf32>
          %add3A_344 = arith.addf %add3A_343, %exp3A_339 : vector<16xf32>
          %div3A_345 = arith.divf %get3A_341, %add3A_344 : vector<16xf32>
          %add3A_346 = arith.addf %broadcast_in_dim3A_335, %div3A_345 : vector<16xf32>
          %get3A_347 = arith.index_cast %add3A_333 : i32 to index
          %get3A_348 = arith.constant 16 : index
          %get3A_349 = tpu.vector_load %arg11[%get3A_347, %get3A_348] {strides = array<i32>} : memref<128x128xf32, #tpu.memory_space<vmem>>, vector<16xf32>,
          %exp3A_350 = math.exp %get3A_349 : vector<16xf32>
          %get3A_351 = arith.constant 16 : index
          %get3A_352 = tpu.vector_load %arg18[%get3A_351] {strides = array<i32>} : memref<64xf32, #tpu.memory_space<vmem>>, vector<16xf32>,
          %add3A_353 = arith.constant 1.000000e+00 : f32
          %add3A_354 = vector.broadcast %add3A_353 : f32 to vector<16xf32>
          %add3A_355 = arith.addf %add3A_354, %exp3A_350 : vector<16xf32>
          %div3A_356 = arith.divf %get3A_352, %add3A_355 : vector<16xf32>
          %add3A_357 = arith.addf %add3A_346, %div3A_356 : vector<16xf32>
          %get3A_358 = arith.index_cast %add3A_333 : i32 to index
          %get3A_359 = arith.constant 32 : index
          %get3A_360 = tpu.vector_load %arg11[%get3A_358, %get3A_359] {strides = array<i32>} : memref<128x128xf32, #tpu.memory_space<vmem>>, vector<16xf32>,
          %exp3A_361 = math.exp %get3A_360 : vector<16xf32>
          %get3A_362 = arith.constant 32 : index
          %get3A_363 = tpu.vector_load %arg18[%get3A_362] {strides = array<i32>} : memref<64xf32, #tpu.memory_space<vmem>>, vector<16xf32>,
          %add3A_364 = arith.constant 1.000000e+00 : f32
          %add3A_365 = vector.broadcast %add3A_364 : f32 to vector<16xf32>
          %add3A_366 = arith.addf %add3A_365, %exp3A_361 : vector<16xf32>
          %div3A_367 = arith.divf %get3A_363, %add3A_366 : vector<16xf32>
          %add3A_368 = arith.addf %add3A_357, %div3A_367 : vector<16xf32>
          %get3A_369 = arith.index_cast %add3A_333 : i32 to index
          %get3A_370 = arith.constant 48 : index
          %get3A_371 = tpu.vector_load %arg11[%get3A_369, %get3A_370] {strides = array<i32>} : memref<128x128xf32, #tpu.memory_space<vmem>>, vector<16xf32>,
          %exp3A_372 = math.exp %get3A_371 : vector<16xf32>
          %get3A_373 = arith.constant 48 : index
          %get3A_374 = tpu.vector_load %arg18[%get3A_373] {strides = array<i32>} : memref<64xf32, #tpu.memory_space<vmem>>, vector<16xf32>,
          %add3A_375 = arith.constant 1.000000e+00 : f32
          %add3A_376 = vector.broadcast %add3A_375 : f32 to vector<16xf32>
          %add3A_377 = arith.addf %add3A_376, %exp3A_372 : vector<16xf32>
          %div3A_378 = arith.divf %get3A_374, %add3A_377 : vector<16xf32>
          %add3A_379 = arith.addf %add3A_368, %div3A_378 : vector<16xf32>
          %mul3A_380 = arith.constant 16 : i32
          %mul3A_381 = arith.muli %scan3A_331, %mul3A_380 : i32
          %swap3A_382 = arith.index_cast %mul3A_381 : i32 to index
          %swap3A_383 = tpu.vector_load %arg16[%swap3A_382] {strides = array<i32>} : memref<256xf32, #tpu.memory_space<vmem>>, vector<16xf32>,
          tpu.vector_store %arg16[%swap3A_382], %add3A_379 {strides = array<i32>} : memref<256xf32, #tpu.memory_space<vmem>>, vector<16xf32>,
          %scan3A_384 = arith.constant 0 : i32
          scf.yield %scan3A_384 : i32
        }
        %scan3A_142 = arith.constant 16 : i32
        %broadcast_in_dim3A = arith.constant 0.000000e+00 : f32
        %broadcast_in_dim3A_143 = vector.broadcast %broadcast_in_dim3A : f32 to vector<16xf32>
        %mul3A_144 = arith.constant 16 : i32
        %mul3A_145 = vector.broadcast %mul3A_144 : i32 to vector<16xi32>
        %mul3A_146 = arith.muli %iota3A, %mul3A_145 : vector<16xi32>
        %add3A_147 = arith.constant 0 : i32
        %add3A_148 = vector.broadcast %add3A_147 : i32 to vector<16xi32>
        %add3A_149 = arith.addi %mul3A_146, %add3A_148 : vector<16xi32>
        %gather3A = tpu.vector_load_idx %arg16[%add3A_149] : memref<256xf32, #tpu.memory_space<vmem>>[vector<16xi32>], vector<16xf32>,
        %add3A_150 = arith.addf %broadcast_in_dim3A_143, %gather3A : vector<16xf32>
        %mul3A_151 = arith.constant 16 : i32
        %mul3A_152 = vector.broadcast %mul3A_151 : i32 to vector<16xi32>
        %mul3A_153 = arith.muli %iota3A, %mul3A_152 : vector<16xi32>
        %add3A_154 = arith.constant 1 : i32
        %add3A_155 = vector.broadcast %add3A_154 : i32 to vector<16xi32>
        %add3A_156 = arith.addi %mul3A_153, %add3A_155 : vector<16xi32>
        %gather3A_157 = tpu.vector_load_idx %arg16[%add3A_156] : memref<256xf32, #tpu.memory_space<vmem>>[vector<16xi32>], vector<16xf32>,
        %add3A_158 = arith.addf %add3A_150, %gather3A_157 : vector<16xf32>
        %mul3A_159 = arith.constant 16 : i32
        %mul3A_160 = vector.broadcast %mul3A_159 : i32 to vector<16xi32>
        %mul3A_161 = arith.muli %iota3A, %mul3A_160 : vector<16xi32>
        %add3A_162 = arith.constant 2 : i32
        %add3A_163 = vector.broadcast %add3A_162 : i32 to vector<16xi32>
        %add3A_164 = arith.addi %mul3A_161, %add3A_163 : vector<16xi32>
        %gather3A_165 = tpu.vector_load_idx %arg16[%add3A_164] : memref<256xf32, #tpu.memory_space<vmem>>[vector<16xi32>], vector<16xf32>,
        %add3A_166 = arith.addf %add3A_158, %gather3A_165 : vector<16xf32>
        %mul3A_167 = arith.constant 16 : i32
        %mul3A_168 = vector.broadcast %mul3A_167 : i32 to vector<16xi32>
        %mul3A_169 = arith.muli %iota3A, %mul3A_168 : vector<16xi32>
        %add3A_170 = arith.constant 3 : i32
        %add3A_171 = vector.broadcast %add3A_170 : i32 to vector<16xi32>
        %add3A_172 = arith.addi %mul3A_169, %add3A_171 : vector<16xi32>
        %gather3A_173 = tpu.vector_load_idx %arg16[%add3A_172] : memref<256xf32, #tpu.memory_space<vmem>>[vector<16xi32>], vector<16xf32>,
        %add3A_174 = arith.addf %add3A_166, %gather3A_173 : vector<16xf32>
        %mul3A_175 = arith.constant 16 : i32
        %mul3A_176 = vector.broadcast %mul3A_175 : i32 to vector<16xi32>
        %mul3A_177 = arith.muli %iota3A, %mul3A_176 : vector<16xi32>
        %add3A_178 = arith.constant 4 : i32
        %add3A_179 = vector.broadcast %add3A_178 : i32 to vector<16xi32>
        %add3A_180 = arith.addi %mul3A_177, %add3A_179 : vector<16xi32>
        %gather3A_181 = tpu.vector_load_idx %arg16[%add3A_180] : memref<256xf32, #tpu.memory_space<vmem>>[vector<16xi32>], vector<16xf32>,
        %add3A_182 = arith.addf %add3A_174, %gather3A_181 : vector<16xf32>
        %mul3A_183 = arith.constant 16 : i32
        %mul3A_184 = vector.broadcast %mul3A_183 : i32 to vector<16xi32>
        %mul3A_185 = arith.muli %iota3A, %mul3A_184 : vector<16xi32>
        %add3A_186 = arith.constant 5 : i32
        %add3A_187 = vector.broadcast %add3A_186 : i32 to vector<16xi32>
        %add3A_188 = arith.addi %mul3A_185, %add3A_187 : vector<16xi32>
        %gather3A_189 = tpu.vector_load_idx %arg16[%add3A_188] : memref<256xf32, #tpu.memory_space<vmem>>[vector<16xi32>], vector<16xf32>,
        %add3A_190 = arith.addf %add3A_182, %gather3A_189 : vector<16xf32>
        %mul3A_191 = arith.constant 16 : i32
        %mul3A_192 = vector.broadcast %mul3A_191 : i32 to vector<16xi32>
        %mul3A_193 = arith.muli %iota3A, %mul3A_192 : vector<16xi32>
        %add3A_194 = arith.constant 6 : i32
        %add3A_195 = vector.broadcast %add3A_194 : i32 to vector<16xi32>
        %add3A_196 = arith.addi %mul3A_193, %add3A_195 : vector<16xi32>
        %gather3A_197 = tpu.vector_load_idx %arg16[%add3A_196] : memref<256xf32, #tpu.memory_space<vmem>>[vector<16xi32>], vector<16xf32>,
        %add3A_198 = arith.addf %add3A_190, %gather3A_197 : vector<16xf32>
        %mul3A_199 = arith.constant 16 : i32
        %mul3A_200 = vector.broadcast %mul3A_199 : i32 to vector<16xi32>
        %mul3A_201 = arith.muli %iota3A, %mul3A_200 : vector<16xi32>
        %add3A_202 = arith.constant 7 : i32
        %add3A_203 = vector.broadcast %add3A_202 : i32 to vector<16xi32>
        %add3A_204 = arith.addi %mul3A_201, %add3A_203 : vector<16xi32>
        %gather3A_205 = tpu.vector_load_idx %arg16[%add3A_204] : memref<256xf32, #tpu.memory_space<vmem>>[vector<16xi32>], vector<16xf32>,
        %add3A_206 = arith.addf %add3A_198, %gather3A_205 : vector<16xf32>
        %mul3A_207 = arith.constant 16 : i32
        %mul3A_208 = vector.broadcast %mul3A_207 : i32 to vector<16xi32>
        %mul3A_209 = arith.muli %iota3A, %mul3A_208 : vector<16xi32>
        %add3A_210 = arith.constant 8 : i32
        %add3A_211 = vector.broadcast %add3A_210 : i32 to vector<16xi32>
        %add3A_212 = arith.addi %mul3A_209, %add3A_211 : vector<16xi32>
        %gather3A_213 = tpu.vector_load_idx %arg16[%add3A_212] : memref<256xf32, #tpu.memory_space<vmem>>[vector<16xi32>], vector<16xf32>,
        %add3A_214 = arith.addf %add3A_206, %gather3A_213 : vector<16xf32>
        %mul3A_215 = arith.constant 16 : i32
        %mul3A_216 = vector.broadcast %mul3A_215 : i32 to vector<16xi32>
        %mul3A_217 = arith.muli %iota3A, %mul3A_216 : vector<16xi32>
        %add3A_218 = arith.constant 9 : i32
        %add3A_219 = vector.broadcast %add3A_218 : i32 to vector<16xi32>
        %add3A_220 = arith.addi %mul3A_217, %add3A_219 : vector<16xi32>
        %gather3A_221 = tpu.vector_load_idx %arg16[%add3A_220] : memref<256xf32, #tpu.memory_space<vmem>>[vector<16xi32>], vector<16xf32>,
        %add3A_222 = arith.addf %add3A_214, %gather3A_221 : vector<16xf32>
        %mul3A_223 = arith.constant 16 : i32
        %mul3A_224 = vector.broadcast %mul3A_223 : i32 to vector<16xi32>
        %mul3A_225 = arith.muli %iota3A, %mul3A_224 : vector<16xi32>
        %add3A_226 = arith.constant 10 : i32
        %add3A_227 = vector.broadcast %add3A_226 : i32 to vector<16xi32>
        %add3A_228 = arith.addi %mul3A_225, %add3A_227 : vector<16xi32>
        %gather3A_229 = tpu.vector_load_idx %arg16[%add3A_228] : memref<256xf32, #tpu.memory_space<vmem>>[vector<16xi32>], vector<16xf32>,
        %add3A_230 = arith.addf %add3A_222, %gather3A_229 : vector<16xf32>
        %mul3A_231 = arith.constant 16 : i32
        %mul3A_232 = vector.broadcast %mul3A_231 : i32 to vector<16xi32>
        %mul3A_233 = arith.muli %iota3A, %mul3A_232 : vector<16xi32>
        %add3A_234 = arith.constant 11 : i32
        %add3A_235 = vector.broadcast %add3A_234 : i32 to vector<16xi32>
        %add3A_236 = arith.addi %mul3A_233, %add3A_235 : vector<16xi32>
        %gather3A_237 = tpu.vector_load_idx %arg16[%add3A_236] : memref<256xf32, #tpu.memory_space<vmem>>[vector<16xi32>], vector<16xf32>,
        %add3A_238 = arith.addf %add3A_230, %gather3A_237 : vector<16xf32>
        %mul3A_239 = arith.constant 16 : i32
        %mul3A_240 = vector.broadcast %mul3A_239 : i32 to vector<16xi32>
        %mul3A_241 = arith.muli %iota3A, %mul3A_240 : vector<16xi32>
        %add3A_242 = arith.constant 12 : i32
        %add3A_243 = vector.broadcast %add3A_242 : i32 to vector<16xi32>
        %add3A_244 = arith.addi %mul3A_241, %add3A_243 : vector<16xi32>
        %gather3A_245 = tpu.vector_load_idx %arg16[%add3A_244] : memref<256xf32, #tpu.memory_space<vmem>>[vector<16xi32>], vector<16xf32>,
        %add3A_246 = arith.addf %add3A_238, %gather3A_245 : vector<16xf32>
        %mul3A_247 = arith.constant 16 : i32
        %mul3A_248 = vector.broadcast %mul3A_247 : i32 to vector<16xi32>
        %mul3A_249 = arith.muli %iota3A, %mul3A_248 : vector<16xi32>
        %add3A_250 = arith.constant 13 : i32
        %add3A_251 = vector.broadcast %add3A_250 : i32 to vector<16xi32>
        %add3A_252 = arith.addi %mul3A_249, %add3A_251 : vector<16xi32>
        %gather3A_253 = tpu.vector_load_idx %arg16[%add3A_252] : memref<256xf32, #tpu.memory_space<vmem>>[vector<16xi32>], vector<16xf32>,
        %add3A_254 = arith.addf %add3A_246, %gather3A_253 : vector<16xf32>
        %mul3A_255 = arith.constant 16 : i32
        %mul3A_256 = vector.broadcast %mul3A_255 : i32 to vector<16xi32>
        %mul3A_257 = arith.muli %iota3A, %mul3A_256 : vector<16xi32>
        %add3A_258 = arith.constant 14 : i32
        %add3A_259 = vector.broadcast %add3A_258 : i32 to vector<16xi32>
        %add3A_260 = arith.addi %mul3A_257, %add3A_259 : vector<16xi32>
        %gather3A_261 = tpu.vector_load_idx %arg16[%add3A_260] : memref<256xf32, #tpu.memory_space<vmem>>[vector<16xi32>], vector<16xf32>,
        %add3A_262 = arith.addf %add3A_254, %gather3A_261 : vector<16xf32>
        %mul3A_263 = arith.constant 16 : i32
        %mul3A_264 = vector.broadcast %mul3A_263 : i32 to vector<16xi32>
        %mul3A_265 = arith.muli %iota3A, %mul3A_264 : vector<16xi32>
        %add3A_266 = arith.constant 15 : i32
        %add3A_267 = vector.broadcast %add3A_266 : i32 to vector<16xi32>
        %add3A_268 = arith.addi %mul3A_265, %add3A_267 : vector<16xi32>
        %gather3A_269 = tpu.vector_load_idx %arg16[%add3A_268] : memref<256xf32, #tpu.memory_space<vmem>>[vector<16xi32>], vector<16xf32>,
        %add3A_270 = arith.addf %add3A_262, %gather3A_269 : vector<16xf32>
        %reduce_max3A = arith.constant true
        %reduce_max3A_271 = vector.broadcast %reduce_max3A : i1 to vector<16xi1>
        %reduce_max3A_272 = tpu.scan <max>, %add3A_270 masked %reduce_max3A_271 : vector<16xf32>, vector<16xi1> -> vector<16xf32>
        %reduce_max3A_273 = vector.extract %reduce_max3A_272[15] : f32 from vector<16xf32>
        %sub3A = vector.broadcast %reduce_max3A_273 : f32 to vector<16xf32>
        %sub3A_274 = arith.subf %add3A_270, %sub3A : vector<16xf32>
        %exp3A = math.exp %sub3A_274 : vector<16xf32>
        %reduce_sum3A = arith.constant true
        %reduce_sum3A_275 = vector.broadcast %reduce_sum3A : i1 to vector<16xi1>
        %reduce_sum3A_276 = tpu.scan <sum>, %exp3A masked %reduce_sum3A_275 : vector<16xf32>, vector<16xi1> -> vector<16xf32>
        %reduce_sum3A_277 = vector.extract %reduce_sum3A_276[15] : f32 from vector<16xf32>
        %div3A = vector.broadcast %reduce_sum3A_277 : f32 to vector<16xf32>
        %div3A_278 = arith.divf %exp3A, %div3A : vector<16xf32>
        %swap3A_279 = arith.constant 0 : index
        %swap3A_280 = tpu.vector_load %arg17[%swap3A_279] {strides = array<i32>} : memref<16xf32, #tpu.memory_space<vmem>>, vector<16xf32>,
        tpu.vector_store %arg17[%swap3A_279], %div3A_278 {strides = array<i32>} : memref<16xf32, #tpu.memory_space<vmem>>, vector<16xf32>,
        %broadcast_in_dim3A_281 = arith.constant 0.000000e+00 : f32
        %broadcast_in_dim3A_282 = vector.broadcast %broadcast_in_dim3A_281 : f32 to vector<16xf32>
        %broadcast_in_dim3A_283 = arith.constant 0.000000e+00 : f32
        %broadcast_in_dim3A_284 = vector.broadcast %broadcast_in_dim3A_283 : f32 to vector<16xf32>
        %broadcast_in_dim3A_285 = arith.constant 0.000000e+00 : f32
        %broadcast_in_dim3A_286 = vector.broadcast %broadcast_in_dim3A_285 : f32 to vector<16xf32>
        %broadcast_in_dim3A_287 = arith.constant 0.000000e+00 : f32
        %broadcast_in_dim3A_288 = vector.broadcast %broadcast_in_dim3A_287 : f32 to vector<16xf32>
        %broadcast_in_dim3A_289 = arith.constant 0.000000e+00 : f32
        %broadcast_in_dim3A_290 = vector.broadcast %broadcast_in_dim3A_289 : f32 to vector<16xf32>
        %broadcast_in_dim3A_291 = arith.constant 0.000000e+00 : f32
        %broadcast_in_dim3A_292 = vector.broadcast %broadcast_in_dim3A_291 : f32 to vector<16xf32>
        %broadcast_in_dim3A_293 = arith.constant 0.000000e+00 : f32
        %broadcast_in_dim3A_294 = vector.broadcast %broadcast_in_dim3A_293 : f32 to vector<16xf32>
        %broadcast_in_dim3A_295 = arith.constant 0.000000e+00 : f32
        %broadcast_in_dim3A_296 = vector.broadcast %broadcast_in_dim3A_295 : f32 to vector<16xf32>
        %scan3A_297 = arith.constant 0 : i32
        %scan3A_298 = arith.constant 16 : i32
        %scan3A_299 = arith.addi %scan3A_297, %scan3A_298 : i32
        %scan3A_300 = arith.constant 1 : i32
        %scan3A_301:8 = scf.for %scan3A_331 = %scan3A_297 to %scan3A_299 step %scan3A_300 iter_args(%scan3A_332 = %broadcast_in_dim3A_282, %scan3A_333 = %broadcast_in_dim3A_284, %scan3A_334 = %broadcast_in_dim3A_286, %scan3A_335 = %broadcast_in_dim3A_288, %scan3A_336 = %broadcast_in_dim3A_290, %scan3A_337 = %broadcast_in_dim3A_292, %scan3A_338 = %broadcast_in_dim3A_294, %scan3A_339 = %broadcast_in_dim3A_296) -> (vector<16xf32>, vector<16xf32>, vector<16xf32>, vector<16xf32>, vector<16xf32>, vector<16xf32>, vector<16xf32>, vector<16xf32>)  : i32 {
          %broadcast_in_dim3A_340 = vector.broadcast %scan3A_331 : i32 to vector<16xi32>
          %gather3A_341 = tpu.vector_load_idx %arg17[%broadcast_in_dim3A_340] : memref<16xf32, #tpu.memory_space<vmem>>[vector<16xi32>], vector<16xf32>,
          %add3A_342 = arith.addi %mul3A_135, %scan3A_331 : i32
          %get3A_343 = arith.index_cast %add3A_342 : i32 to index
          %get3A_344 = arith.constant 0 : index
          %get3A_345 = tpu.vector_load %arg13[%get3A_343, %get3A_344] {strides = array<i32>} : memref<128x128xf32, #tpu.memory_space<vmem>>, vector<16xf32>,
          %mul3A_346 = arith.mulf %gather3A_341, %get3A_345 : vector<16xf32>
          %add3A_347 = arith.addf %scan3A_332, %mul3A_346 : vector<16xf32>
          %get3A_348 = arith.index_cast %add3A_342 : i32 to index
          %get3A_349 = arith.constant 16 : index
          %get3A_350 = tpu.vector_load %arg13[%get3A_348, %get3A_349] {strides = array<i32>} : memref<128x128xf32, #tpu.memory_space<vmem>>, vector<16xf32>,
          %mul3A_351 = arith.mulf %gather3A_341, %get3A_350 : vector<16xf32>
          %add3A_352 = arith.addf %scan3A_333, %mul3A_351 : vector<16xf32>
          %get3A_353 = arith.index_cast %add3A_342 : i32 to index
          %get3A_354 = arith.constant 32 : index
          %get3A_355 = tpu.vector_load %arg13[%get3A_353, %get3A_354] {strides = array<i32>} : memref<128x128xf32, #tpu.memory_space<vmem>>, vector<16xf32>,
          %mul3A_356 = arith.mulf %gather3A_341, %get3A_355 : vector<16xf32>
          %add3A_357 = arith.addf %scan3A_334, %mul3A_356 : vector<16xf32>
          %get3A_358 = arith.index_cast %add3A_342 : i32 to index
          %get3A_359 = arith.constant 48 : index
          %get3A_360 = tpu.vector_load %arg13[%get3A_358, %get3A_359] {strides = array<i32>} : memref<128x128xf32, #tpu.memory_space<vmem>>, vector<16xf32>,
          %mul3A_361 = arith.mulf %gather3A_341, %get3A_360 : vector<16xf32>
          %add3A_362 = arith.addf %scan3A_335, %mul3A_361 : vector<16xf32>
          %get3A_363 = arith.index_cast %add3A_342 : i32 to index
          %get3A_364 = arith.constant 64 : index
          %get3A_365 = tpu.vector_load %arg13[%get3A_363, %get3A_364] {strides = array<i32>} : memref<128x128xf32, #tpu.memory_space<vmem>>, vector<16xf32>,
          %mul3A_366 = arith.mulf %gather3A_341, %get3A_365 : vector<16xf32>
          %add3A_367 = arith.addf %scan3A_336, %mul3A_366 : vector<16xf32>
          %get3A_368 = arith.index_cast %add3A_342 : i32 to index
          %get3A_369 = arith.constant 80 : index
          %get3A_370 = tpu.vector_load %arg13[%get3A_368, %get3A_369] {strides = array<i32>} : memref<128x128xf32, #tpu.memory_space<vmem>>, vector<16xf32>,
          %mul3A_371 = arith.mulf %gather3A_341, %get3A_370 : vector<16xf32>
          %add3A_372 = arith.addf %scan3A_337, %mul3A_371 : vector<16xf32>
          %get3A_373 = arith.index_cast %add3A_342 : i32 to index
          %get3A_374 = arith.constant 96 : index
          %get3A_375 = tpu.vector_load %arg13[%get3A_373, %get3A_374] {strides = array<i32>} : memref<128x128xf32, #tpu.memory_space<vmem>>, vector<16xf32>,
          %mul3A_376 = arith.mulf %gather3A_341, %get3A_375 : vector<16xf32>
          %add3A_377 = arith.addf %scan3A_338, %mul3A_376 : vector<16xf32>
          %get3A_378 = arith.index_cast %add3A_342 : i32 to index
          %get3A_379 = arith.constant 112 : index
          %get3A_380 = tpu.vector_load %arg13[%get3A_378, %get3A_379] {strides = array<i32>} : memref<128x128xf32, #tpu.memory_space<vmem>>, vector<16xf32>,
          %mul3A_381 = arith.mulf %gather3A_341, %get3A_380 : vector<16xf32>
          %add3A_382 = arith.addf %scan3A_339, %mul3A_381 : vector<16xf32>
          scf.yield %add3A_347, %add3A_352, %add3A_357, %add3A_362, %add3A_367, %add3A_372, %add3A_377, %add3A_382 : vector<16xf32>, vector<16xf32>, vector<16xf32>, vector<16xf32>, vector<16xf32>, vector<16xf32>, vector<16xf32>, vector<16xf32>
        }
        %scan3A_302 = arith.constant 16 : i32
        %mul3A_303 = arith.constant 8 : i32
        %mul3A_304 = arith.muli %mul3A_51, %mul3A_303 : i32
        %add3A_305 = arith.addi %mul3A_304, %scan3A_132 : i32
        %swap3A_306 = arith.index_cast %add3A_305 : i32 to index
        %swap3A_307 = arith.constant 0 : index
        %swap3A_308 = tpu.vector_load %arg15[%swap3A_306, %swap3A_307] {strides = array<i32>} : memref<320x128xf32, #tpu.memory_space<vmem>>, vector<16xf32>,
        tpu.vector_store %arg15[%swap3A_306, %swap3A_307], %scan3A_301#0 {strides = array<i32>} : memref<320x128xf32, #tpu.memory_space<vmem>>, vector<16xf32>,
        %swap3A_309 = arith.index_cast %add3A_305 : i32 to index
        %swap3A_310 = arith.constant 16 : index
        %swap3A_311 = tpu.vector_load %arg15[%swap3A_309, %swap3A_310] {strides = array<i32>} : memref<320x128xf32, #tpu.memory_space<vmem>>, vector<16xf32>,
        tpu.vector_store %arg15[%swap3A_309, %swap3A_310], %scan3A_301#1 {strides = array<i32>} : memref<320x128xf32, #tpu.memory_space<vmem>>, vector<16xf32>,
        %swap3A_312 = arith.index_cast %add3A_305 : i32 to index
        %swap3A_313 = arith.constant 32 : index
        %swap3A_314 = tpu.vector_load %arg15[%swap3A_312, %swap3A_313] {strides = array<i32>} : memref<320x128xf32, #tpu.memory_space<vmem>>, vector<16xf32>,
        tpu.vector_store %arg15[%swap3A_312, %swap3A_313], %scan3A_301#2 {strides = array<i32>} : memref<320x128xf32, #tpu.memory_space<vmem>>, vector<16xf32>,
        %swap3A_315 = arith.index_cast %add3A_305 : i32 to index
        %swap3A_316 = arith.constant 48 : index
        %swap3A_317 = tpu.vector_load %arg15[%swap3A_315, %swap3A_316] {strides = array<i32>} : memref<320x128xf32, #tpu.memory_space<vmem>>, vector<16xf32>,
        tpu.vector_store %arg15[%swap3A_315, %swap3A_316], %scan3A_301#3 {strides = array<i32>} : memref<320x128xf32, #tpu.memory_space<vmem>>, vector<16xf32>,
        %swap3A_318 = arith.index_cast %add3A_305 : i32 to index
        %swap3A_319 = arith.constant 64 : index
        %swap3A_320 = tpu.vector_load %arg15[%swap3A_318, %swap3A_319] {strides = array<i32>} : memref<320x128xf32, #tpu.memory_space<vmem>>, vector<16xf32>,
        tpu.vector_store %arg15[%swap3A_318, %swap3A_319], %scan3A_301#4 {strides = array<i32>} : memref<320x128xf32, #tpu.memory_space<vmem>>, vector<16xf32>,
        %swap3A_321 = arith.index_cast %add3A_305 : i32 to index
        %swap3A_322 = arith.constant 80 : index
        %swap3A_323 = tpu.vector_load %arg15[%swap3A_321, %swap3A_322] {strides = array<i32>} : memref<320x128xf32, #tpu.memory_space<vmem>>, vector<16xf32>,
        tpu.vector_store %arg15[%swap3A_321, %swap3A_322], %scan3A_301#5 {strides = array<i32>} : memref<320x128xf32, #tpu.memory_space<vmem>>, vector<16xf32>,
        %swap3A_324 = arith.index_cast %add3A_305 : i32 to index
        %swap3A_325 = arith.constant 96 : index
        %swap3A_326 = tpu.vector_load %arg15[%swap3A_324, %swap3A_325] {strides = array<i32>} : memref<320x128xf32, #tpu.memory_space<vmem>>, vector<16xf32>,
        tpu.vector_store %arg15[%swap3A_324, %swap3A_325], %scan3A_301#6 {strides = array<i32>} : memref<320x128xf32, #tpu.memory_space<vmem>>, vector<16xf32>,
        %swap3A_327 = arith.index_cast %add3A_305 : i32 to index
        %swap3A_328 = arith.constant 112 : index
        %swap3A_329 = tpu.vector_load %arg15[%swap3A_327, %swap3A_328] {strides = array<i32>} : memref<320x128xf32, #tpu.memory_space<vmem>>, vector<16xf32>,
        tpu.vector_store %arg15[%swap3A_327, %swap3A_328], %scan3A_301#7 {strides = array<i32>} : memref<320x128xf32, #tpu.memory_space<vmem>>, vector<16xf32>,
        %scan3A_330 = arith.constant 0 : i32
        scf.yield %scan3A_330 : i32
      }
      %scan3A_95 = arith.constant 8 : i32
      %dma_wait3A_96 = arith.constant 0 : i32
      %dma_wait3A_97 = tpu.memref_slice %arg9[%add3A_53, %dma_wait3A_96] : memref<40x128xi32, #tpu.memory_space<vmem>> -> memref<1x128xi32, #tpu.memory_space<vmem>>
      %dma_wait3A_98 = tpu.memref_squeeze %dma_wait3A_97 : memref<1x128xi32, #tpu.memory_space<vmem>> -> memref<128xi32, #tpu.memory_space<vmem>>
      %dma_wait3A_99 = arith.constant 0 : i32
      %dma_wait3A_100 = arith.constant 0 : i32
      %dma_wait3A_101 = tpu.memref_slice %arg2[%dma_wait3A_99, %dma_wait3A_100] : memref<12000x128xf32, #tpu.memory_space<hbm>> -> memref<12000x128xf32, #tpu.memory_space<hbm>>
      tpu.wait_indirect_dma semaphore(%arg20 : memref<!tpu.dma_semaphore, #tpu.memory_space<semaphore_mem>>) src(%dma_wait3A_101 : memref<12000x128xf32, #tpu.memory_space<hbm>>) dst(%arg12 : memref<128x128xf32, #tpu.memory_space<vmem>>)
      %dma_start3A_102 = arith.constant 0 : i32
      %dma_start3A_103 = tpu.memref_slice %arg10[%add3A_53, %dma_start3A_102] : memref<40x128xi32, #tpu.memory_space<vmem>> -> memref<1x128xi32, #tpu.memory_space<vmem>>
      %dma_start3A_104 = tpu.memref_squeeze %dma_start3A_103 : memref<1x128xi32, #tpu.memory_space<vmem>> -> memref<128xi32, #tpu.memory_space<vmem>>
      %dma_start3A_105 = arith.constant 0 : i32
      %dma_start3A_106 = arith.constant 0 : i32
      %dma_start3A_107 = tpu.memref_slice %arg3[%dma_start3A_105, %dma_start3A_106] : memref<12000x128xf32, #tpu.memory_space<hbm>> -> memref<12000x128xf32, #tpu.memory_space<hbm>>
      tpu.enqueue_indirect_dma source(%dma_start3A_107 : memref<12000x128xf32, #tpu.memory_space<hbm>>) target(%arg12 : memref<128x128xf32, #tpu.memory_space<vmem>>) offsets(%dma_start3A_104 : memref<128xi32, #tpu.memory_space<vmem>>) semaphore(%arg20 : memref<!tpu.dma_semaphore, #tpu.memory_space<semaphore_mem>>) {add = true}
      %add3A_108 = arith.constant 1 : i32
      %add3A_109 = arith.addi %add3A_53, %add3A_108 : i32
      %lt3A = arith.constant 40 : i32
      %lt3A_110 = arith.cmpi slt, %add3A_109, %lt3A : i32
      %convert_element_type3A = arith.extui %lt3A_110 : i1 to i32
      %cond3A = arith.constant 0 : i32
      %cond3A_111 = arith.cmpi ne, %convert_element_type3A, %cond3A : i32
      scf.if %cond3A_111 {
        %add3A_132 = arith.constant 1 : i32
        %add3A_133 = arith.addi %add3A_53, %add3A_132 : i32
        %dma_start3A_134 = arith.constant 0 : i32
        %dma_start3A_135 = tpu.memref_slice %arg9[%add3A_133, %dma_start3A_134] : memref<40x128xi32, #tpu.memory_space<vmem>> -> memref<1x128xi32, #tpu.memory_space<vmem>>
        %dma_start3A_136 = tpu.memref_squeeze %dma_start3A_135 : memref<1x128xi32, #tpu.memory_space<vmem>> -> memref<128xi32, #tpu.memory_space<vmem>>
        %dma_start3A_137 = arith.constant 0 : i32
        %dma_start3A_138 = arith.constant 0 : i32
        %dma_start3A_139 = tpu.memref_slice %arg2[%dma_start3A_137, %dma_start3A_138] : memref<12000x128xf32, #tpu.memory_space<hbm>> -> memref<12000x128xf32, #tpu.memory_space<hbm>>
        tpu.enqueue_indirect_dma source(%dma_start3A_139 : memref<12000x128xf32, #tpu.memory_space<hbm>>) target(%arg11 : memref<128x128xf32, #tpu.memory_space<vmem>>) offsets(%dma_start3A_136 : memref<128xi32, #tpu.memory_space<vmem>>) semaphore(%arg19 : memref<!tpu.dma_semaphore, #tpu.memory_space<semaphore_mem>>)
        %dma_start3A_140 = arith.constant 0 : i32
        %dma_start3A_141 = tpu.memref_slice %arg10[%add3A_133, %dma_start3A_140] : memref<40x128xi32, #tpu.memory_space<vmem>> -> memref<1x128xi32, #tpu.memory_space<vmem>>
        %dma_start3A_142 = tpu.memref_squeeze %dma_start3A_141 : memref<1x128xi32, #tpu.memory_space<vmem>> -> memref<128xi32, #tpu.memory_space<vmem>>
        %dma_start3A_143 = arith.constant 0 : i32
        %dma_start3A_144 = arith.constant 0 : i32
        %dma_start3A_145 = tpu.memref_slice %arg4[%dma_start3A_143, %dma_start3A_144] : memref<12000x128xf32, #tpu.memory_space<hbm>> -> memref<12000x128xf32, #tpu.memory_space<hbm>>
        tpu.enqueue_indirect_dma source(%dma_start3A_145 : memref<12000x128xf32, #tpu.memory_space<hbm>>) target(%arg13 : memref<128x128xf32, #tpu.memory_space<vmem>>) offsets(%dma_start3A_142 : memref<128xi32, #tpu.memory_space<vmem>>) semaphore(%arg21 : memref<!tpu.dma_semaphore, #tpu.memory_space<semaphore_mem>>)
      } else {
      }
      %dma_wait3A_112 = arith.constant 0 : i32
      %dma_wait3A_113 = tpu.memref_slice %arg9[%add3A_53, %dma_wait3A_112] : memref<40x128xi32, #tpu.memory_space<vmem>> -> memref<1x128xi32, #tpu.memory_space<vmem>>
      %dma_wait3A_114 = tpu.memref_squeeze %dma_wait3A_113 : memref<1x128xi32, #tpu.memory_space<vmem>> -> memref<128xi32, #tpu.memory_space<vmem>>
      %dma_wait3A_115 = arith.constant 0 : i32
      %dma_wait3A_116 = arith.constant 0 : i32
      %dma_wait3A_117 = tpu.memref_slice %arg2[%dma_wait3A_115, %dma_wait3A_116] : memref<12000x128xf32, #tpu.memory_space<hbm>> -> memref<12000x128xf32, #tpu.memory_space<hbm>>
      tpu.wait_indirect_dma semaphore(%arg20 : memref<!tpu.dma_semaphore, #tpu.memory_space<semaphore_mem>>) src(%dma_wait3A_117 : memref<12000x128xf32, #tpu.memory_space<hbm>>) dst(%arg12 : memref<128x128xf32, #tpu.memory_space<vmem>>)
      %dma_wait3A_118 = arith.constant 0 : i32
      %dma_wait3A_119 = tpu.memref_slice %arg10[%add3A_53, %dma_wait3A_118] : memref<40x128xi32, #tpu.memory_space<vmem>> -> memref<1x128xi32, #tpu.memory_space<vmem>>
      %dma_wait3A_120 = tpu.memref_squeeze %dma_wait3A_119 : memref<1x128xi32, #tpu.memory_space<vmem>> -> memref<128xi32, #tpu.memory_space<vmem>>
      %dma_wait3A_121 = arith.constant 0 : i32
      %dma_wait3A_122 = arith.constant 0 : i32
      %dma_wait3A_123 = tpu.memref_slice %arg4[%dma_wait3A_121, %dma_wait3A_122] : memref<12000x128xf32, #tpu.memory_space<hbm>> -> memref<12000x128xf32, #tpu.memory_space<hbm>>
      tpu.wait_indirect_dma semaphore(%arg22 : memref<!tpu.dma_semaphore, #tpu.memory_space<semaphore_mem>>) src(%dma_wait3A_123 : memref<12000x128xf32, #tpu.memory_space<hbm>>) dst(%arg14 : memref<128x128xf32, #tpu.memory_space<vmem>>)
      %scan3A_124 = arith.constant 0 : i32
      %scan3A_125 = arith.constant 0 : i32
      %scan3A_126 = arith.constant 8 : i32
      %scan3A_127 = arith.addi %scan3A_125, %scan3A_126 : i32
      %scan3A_128 = arith.constant 1 : i32
      %scan3A_129 = scf.for %scan3A_132 = %scan3A_125 to %scan3A_127 step %scan3A_128 iter_args(%scan3A_133 = %scan3A_124) -> (i32)  : i32 {
        %mul3A_134 = arith.constant 16 : i32
        %mul3A_135 = arith.muli %scan3A_132, %mul3A_134 : i32
        %scan3A_136 = arith.constant 0 : i32
        %scan3A_137 = arith.constant 0 : i32
        %scan3A_138 = arith.constant 16 : i32
        %scan3A_139 = arith.addi %scan3A_137, %scan3A_138 : i32
        %scan3A_140 = arith.constant 1 : i32
        %scan3A_141 = scf.for %scan3A_331 = %scan3A_137 to %scan3A_139 step %scan3A_140 iter_args(%scan3A_332 = %scan3A_136) -> (i32)  : i32 {
          %add3A_333 = arith.addi %mul3A_135, %scan3A_331 : i32
          %broadcast_in_dim3A_334 = arith.constant 0.000000e+00 : f32
          %broadcast_in_dim3A_335 = vector.broadcast %broadcast_in_dim3A_334 : f32 to vector<16xf32>
          %get3A_336 = arith.index_cast %add3A_333 : i32 to index
          %get3A_337 = arith.constant 0 : index
          %get3A_338 = tpu.vector_load %arg12[%get3A_336, %get3A_337] {strides = array<i32>} : memref<128x128xf32, #tpu.memory_space<vmem>>, vector<16xf32>,
          %exp3A_339 = math.exp %get3A_338 : vector<16xf32>
          %get3A_340 = arith.constant 0 : index
          %get3A_341 = tpu.vector_load %arg18[%get3A_340] {strides = array<i32>} : memref<64xf32, #tpu.memory_space<vmem>>, vector<16xf32>,
          %add3A_342 = arith.constant 1.000000e+00 : f32
          %add3A_343 = vector.broadcast %add3A_342 : f32 to vector<16xf32>
          %add3A_344 = arith.addf %add3A_343, %exp3A_339 : vector<16xf32>
          %div3A_345 = arith.divf %get3A_341, %add3A_344 : vector<16xf32>
          %add3A_346 = arith.addf %broadcast_in_dim3A_335, %div3A_345 : vector<16xf32>
          %get3A_347 = arith.index_cast %add3A_333 : i32 to index
          %get3A_348 = arith.constant 16 : index
          %get3A_349 = tpu.vector_load %arg12[%get3A_347, %get3A_348] {strides = array<i32>} : memref<128x128xf32, #tpu.memory_space<vmem>>, vector<16xf32>,
          %exp3A_350 = math.exp %get3A_349 : vector<16xf32>
          %get3A_351 = arith.constant 16 : index
          %get3A_352 = tpu.vector_load %arg18[%get3A_351] {strides = array<i32>} : memref<64xf32, #tpu.memory_space<vmem>>, vector<16xf32>,
          %add3A_353 = arith.constant 1.000000e+00 : f32
          %add3A_354 = vector.broadcast %add3A_353 : f32 to vector<16xf32>
          %add3A_355 = arith.addf %add3A_354, %exp3A_350 : vector<16xf32>
          %div3A_356 = arith.divf %get3A_352, %add3A_355 : vector<16xf32>
          %add3A_357 = arith.addf %add3A_346, %div3A_356 : vector<16xf32>
          %get3A_358 = arith.index_cast %add3A_333 : i32 to index
          %get3A_359 = arith.constant 32 : index
          %get3A_360 = tpu.vector_load %arg12[%get3A_358, %get3A_359] {strides = array<i32>} : memref<128x128xf32, #tpu.memory_space<vmem>>, vector<16xf32>,
          %exp3A_361 = math.exp %get3A_360 : vector<16xf32>
          %get3A_362 = arith.constant 32 : index
          %get3A_363 = tpu.vector_load %arg18[%get3A_362] {strides = array<i32>} : memref<64xf32, #tpu.memory_space<vmem>>, vector<16xf32>,
          %add3A_364 = arith.constant 1.000000e+00 : f32
          %add3A_365 = vector.broadcast %add3A_364 : f32 to vector<16xf32>
          %add3A_366 = arith.addf %add3A_365, %exp3A_361 : vector<16xf32>
          %div3A_367 = arith.divf %get3A_363, %add3A_366 : vector<16xf32>
          %add3A_368 = arith.addf %add3A_357, %div3A_367 : vector<16xf32>
          %get3A_369 = arith.index_cast %add3A_333 : i32 to index
          %get3A_370 = arith.constant 48 : index
          %get3A_371 = tpu.vector_load %arg12[%get3A_369, %get3A_370] {strides = array<i32>} : memref<128x128xf32, #tpu.memory_space<vmem>>, vector<16xf32>,
          %exp3A_372 = math.exp %get3A_371 : vector<16xf32>
          %get3A_373 = arith.constant 48 : index
          %get3A_374 = tpu.vector_load %arg18[%get3A_373] {strides = array<i32>} : memref<64xf32, #tpu.memory_space<vmem>>, vector<16xf32>,
          %add3A_375 = arith.constant 1.000000e+00 : f32
          %add3A_376 = vector.broadcast %add3A_375 : f32 to vector<16xf32>
          %add3A_377 = arith.addf %add3A_376, %exp3A_372 : vector<16xf32>
          %div3A_378 = arith.divf %get3A_374, %add3A_377 : vector<16xf32>
          %add3A_379 = arith.addf %add3A_368, %div3A_378 : vector<16xf32>
          %mul3A_380 = arith.constant 16 : i32
          %mul3A_381 = arith.muli %scan3A_331, %mul3A_380 : i32
          %swap3A_382 = arith.index_cast %mul3A_381 : i32 to index
          %swap3A_383 = tpu.vector_load %arg16[%swap3A_382] {strides = array<i32>} : memref<256xf32, #tpu.memory_space<vmem>>, vector<16xf32>,
          tpu.vector_store %arg16[%swap3A_382], %add3A_379 {strides = array<i32>} : memref<256xf32, #tpu.memory_space<vmem>>, vector<16xf32>,
          %scan3A_384 = arith.constant 0 : i32
          scf.yield %scan3A_384 : i32
        }
        %scan3A_142 = arith.constant 16 : i32
        %broadcast_in_dim3A = arith.constant 0.000000e+00 : f32
        %broadcast_in_dim3A_143 = vector.broadcast %broadcast_in_dim3A : f32 to vector<16xf32>
        %mul3A_144 = arith.constant 16 : i32
        %mul3A_145 = vector.broadcast %mul3A_144 : i32 to vector<16xi32>
        %mul3A_146 = arith.muli %iota3A, %mul3A_145 : vector<16xi32>
        %add3A_147 = arith.constant 0 : i32
        %add3A_148 = vector.broadcast %add3A_147 : i32 to vector<16xi32>
        %add3A_149 = arith.addi %mul3A_146, %add3A_148 : vector<16xi32>
        %gather3A = tpu.vector_load_idx %arg16[%add3A_149] : memref<256xf32, #tpu.memory_space<vmem>>[vector<16xi32>], vector<16xf32>,
        %add3A_150 = arith.addf %broadcast_in_dim3A_143, %gather3A : vector<16xf32>
        %mul3A_151 = arith.constant 16 : i32
        %mul3A_152 = vector.broadcast %mul3A_151 : i32 to vector<16xi32>
        %mul3A_153 = arith.muli %iota3A, %mul3A_152 : vector<16xi32>
        %add3A_154 = arith.constant 1 : i32
        %add3A_155 = vector.broadcast %add3A_154 : i32 to vector<16xi32>
        %add3A_156 = arith.addi %mul3A_153, %add3A_155 : vector<16xi32>
        %gather3A_157 = tpu.vector_load_idx %arg16[%add3A_156] : memref<256xf32, #tpu.memory_space<vmem>>[vector<16xi32>], vector<16xf32>,
        %add3A_158 = arith.addf %add3A_150, %gather3A_157 : vector<16xf32>
        %mul3A_159 = arith.constant 16 : i32
        %mul3A_160 = vector.broadcast %mul3A_159 : i32 to vector<16xi32>
        %mul3A_161 = arith.muli %iota3A, %mul3A_160 : vector<16xi32>
        %add3A_162 = arith.constant 2 : i32
        %add3A_163 = vector.broadcast %add3A_162 : i32 to vector<16xi32>
        %add3A_164 = arith.addi %mul3A_161, %add3A_163 : vector<16xi32>
        %gather3A_165 = tpu.vector_load_idx %arg16[%add3A_164] : memref<256xf32, #tpu.memory_space<vmem>>[vector<16xi32>], vector<16xf32>,
        %add3A_166 = arith.addf %add3A_158, %gather3A_165 : vector<16xf32>
        %mul3A_167 = arith.constant 16 : i32
        %mul3A_168 = vector.broadcast %mul3A_167 : i32 to vector<16xi32>
        %mul3A_169 = arith.muli %iota3A, %mul3A_168 : vector<16xi32>
        %add3A_170 = arith.constant 3 : i32
        %add3A_171 = vector.broadcast %add3A_170 : i32 to vector<16xi32>
        %add3A_172 = arith.addi %mul3A_169, %add3A_171 : vector<16xi32>
        %gather3A_173 = tpu.vector_load_idx %arg16[%add3A_172] : memref<256xf32, #tpu.memory_space<vmem>>[vector<16xi32>], vector<16xf32>,
        %add3A_174 = arith.addf %add3A_166, %gather3A_173 : vector<16xf32>
        %mul3A_175 = arith.constant 16 : i32
        %mul3A_176 = vector.broadcast %mul3A_175 : i32 to vector<16xi32>
        %mul3A_177 = arith.muli %iota3A, %mul3A_176 : vector<16xi32>
        %add3A_178 = arith.constant 4 : i32
        %add3A_179 = vector.broadcast %add3A_178 : i32 to vector<16xi32>
        %add3A_180 = arith.addi %mul3A_177, %add3A_179 : vector<16xi32>
        %gather3A_181 = tpu.vector_load_idx %arg16[%add3A_180] : memref<256xf32, #tpu.memory_space<vmem>>[vector<16xi32>], vector<16xf32>,
        %add3A_182 = arith.addf %add3A_174, %gather3A_181 : vector<16xf32>
        %mul3A_183 = arith.constant 16 : i32
        %mul3A_184 = vector.broadcast %mul3A_183 : i32 to vector<16xi32>
        %mul3A_185 = arith.muli %iota3A, %mul3A_184 : vector<16xi32>
        %add3A_186 = arith.constant 5 : i32
        %add3A_187 = vector.broadcast %add3A_186 : i32 to vector<16xi32>
        %add3A_188 = arith.addi %mul3A_185, %add3A_187 : vector<16xi32>
        %gather3A_189 = tpu.vector_load_idx %arg16[%add3A_188] : memref<256xf32, #tpu.memory_space<vmem>>[vector<16xi32>], vector<16xf32>,
        %add3A_190 = arith.addf %add3A_182, %gather3A_189 : vector<16xf32>
        %mul3A_191 = arith.constant 16 : i32
        %mul3A_192 = vector.broadcast %mul3A_191 : i32 to vector<16xi32>
        %mul3A_193 = arith.muli %iota3A, %mul3A_192 : vector<16xi32>
        %add3A_194 = arith.constant 6 : i32
        %add3A_195 = vector.broadcast %add3A_194 : i32 to vector<16xi32>
        %add3A_196 = arith.addi %mul3A_193, %add3A_195 : vector<16xi32>
        %gather3A_197 = tpu.vector_load_idx %arg16[%add3A_196] : memref<256xf32, #tpu.memory_space<vmem>>[vector<16xi32>], vector<16xf32>,
        %add3A_198 = arith.addf %add3A_190, %gather3A_197 : vector<16xf32>
        %mul3A_199 = arith.constant 16 : i32
        %mul3A_200 = vector.broadcast %mul3A_199 : i32 to vector<16xi32>
        %mul3A_201 = arith.muli %iota3A, %mul3A_200 : vector<16xi32>
        %add3A_202 = arith.constant 7 : i32
        %add3A_203 = vector.broadcast %add3A_202 : i32 to vector<16xi32>
        %add3A_204 = arith.addi %mul3A_201, %add3A_203 : vector<16xi32>
        %gather3A_205 = tpu.vector_load_idx %arg16[%add3A_204] : memref<256xf32, #tpu.memory_space<vmem>>[vector<16xi32>], vector<16xf32>,
        %add3A_206 = arith.addf %add3A_198, %gather3A_205 : vector<16xf32>
        %mul3A_207 = arith.constant 16 : i32
        %mul3A_208 = vector.broadcast %mul3A_207 : i32 to vector<16xi32>
        %mul3A_209 = arith.muli %iota3A, %mul3A_208 : vector<16xi32>
        %add3A_210 = arith.constant 8 : i32
        %add3A_211 = vector.broadcast %add3A_210 : i32 to vector<16xi32>
        %add3A_212 = arith.addi %mul3A_209, %add3A_211 : vector<16xi32>
        %gather3A_213 = tpu.vector_load_idx %arg16[%add3A_212] : memref<256xf32, #tpu.memory_space<vmem>>[vector<16xi32>], vector<16xf32>,
        %add3A_214 = arith.addf %add3A_206, %gather3A_213 : vector<16xf32>
        %mul3A_215 = arith.constant 16 : i32
        %mul3A_216 = vector.broadcast %mul3A_215 : i32 to vector<16xi32>
        %mul3A_217 = arith.muli %iota3A, %mul3A_216 : vector<16xi32>
        %add3A_218 = arith.constant 9 : i32
        %add3A_219 = vector.broadcast %add3A_218 : i32 to vector<16xi32>
        %add3A_220 = arith.addi %mul3A_217, %add3A_219 : vector<16xi32>
        %gather3A_221 = tpu.vector_load_idx %arg16[%add3A_220] : memref<256xf32, #tpu.memory_space<vmem>>[vector<16xi32>], vector<16xf32>,
        %add3A_222 = arith.addf %add3A_214, %gather3A_221 : vector<16xf32>
        %mul3A_223 = arith.constant 16 : i32
        %mul3A_224 = vector.broadcast %mul3A_223 : i32 to vector<16xi32>
        %mul3A_225 = arith.muli %iota3A, %mul3A_224 : vector<16xi32>
        %add3A_226 = arith.constant 10 : i32
        %add3A_227 = vector.broadcast %add3A_226 : i32 to vector<16xi32>
        %add3A_228 = arith.addi %mul3A_225, %add3A_227 : vector<16xi32>
        %gather3A_229 = tpu.vector_load_idx %arg16[%add3A_228] : memref<256xf32, #tpu.memory_space<vmem>>[vector<16xi32>], vector<16xf32>,
        %add3A_230 = arith.addf %add3A_222, %gather3A_229 : vector<16xf32>
        %mul3A_231 = arith.constant 16 : i32
        %mul3A_232 = vector.broadcast %mul3A_231 : i32 to vector<16xi32>
        %mul3A_233 = arith.muli %iota3A, %mul3A_232 : vector<16xi32>
        %add3A_234 = arith.constant 11 : i32
        %add3A_235 = vector.broadcast %add3A_234 : i32 to vector<16xi32>
        %add3A_236 = arith.addi %mul3A_233, %add3A_235 : vector<16xi32>
        %gather3A_237 = tpu.vector_load_idx %arg16[%add3A_236] : memref<256xf32, #tpu.memory_space<vmem>>[vector<16xi32>], vector<16xf32>,
        %add3A_238 = arith.addf %add3A_230, %gather3A_237 : vector<16xf32>
        %mul3A_239 = arith.constant 16 : i32
        %mul3A_240 = vector.broadcast %mul3A_239 : i32 to vector<16xi32>
        %mul3A_241 = arith.muli %iota3A, %mul3A_240 : vector<16xi32>
        %add3A_242 = arith.constant 12 : i32
        %add3A_243 = vector.broadcast %add3A_242 : i32 to vector<16xi32>
        %add3A_244 = arith.addi %mul3A_241, %add3A_243 : vector<16xi32>
        %gather3A_245 = tpu.vector_load_idx %arg16[%add3A_244] : memref<256xf32, #tpu.memory_space<vmem>>[vector<16xi32>], vector<16xf32>,
        %add3A_246 = arith.addf %add3A_238, %gather3A_245 : vector<16xf32>
        %mul3A_247 = arith.constant 16 : i32
        %mul3A_248 = vector.broadcast %mul3A_247 : i32 to vector<16xi32>
        %mul3A_249 = arith.muli %iota3A, %mul3A_248 : vector<16xi32>
        %add3A_250 = arith.constant 13 : i32
        %add3A_251 = vector.broadcast %add3A_250 : i32 to vector<16xi32>
        %add3A_252 = arith.addi %mul3A_249, %add3A_251 : vector<16xi32>
        %gather3A_253 = tpu.vector_load_idx %arg16[%add3A_252] : memref<256xf32, #tpu.memory_space<vmem>>[vector<16xi32>], vector<16xf32>,
        %add3A_254 = arith.addf %add3A_246, %gather3A_253 : vector<16xf32>
        %mul3A_255 = arith.constant 16 : i32
        %mul3A_256 = vector.broadcast %mul3A_255 : i32 to vector<16xi32>
        %mul3A_257 = arith.muli %iota3A, %mul3A_256 : vector<16xi32>
        %add3A_258 = arith.constant 14 : i32
        %add3A_259 = vector.broadcast %add3A_258 : i32 to vector<16xi32>
        %add3A_260 = arith.addi %mul3A_257, %add3A_259 : vector<16xi32>
        %gather3A_261 = tpu.vector_load_idx %arg16[%add3A_260] : memref<256xf32, #tpu.memory_space<vmem>>[vector<16xi32>], vector<16xf32>,
        %add3A_262 = arith.addf %add3A_254, %gather3A_261 : vector<16xf32>
        %mul3A_263 = arith.constant 16 : i32
        %mul3A_264 = vector.broadcast %mul3A_263 : i32 to vector<16xi32>
        %mul3A_265 = arith.muli %iota3A, %mul3A_264 : vector<16xi32>
        %add3A_266 = arith.constant 15 : i32
        %add3A_267 = vector.broadcast %add3A_266 : i32 to vector<16xi32>
        %add3A_268 = arith.addi %mul3A_265, %add3A_267 : vector<16xi32>
        %gather3A_269 = tpu.vector_load_idx %arg16[%add3A_268] : memref<256xf32, #tpu.memory_space<vmem>>[vector<16xi32>], vector<16xf32>,
        %add3A_270 = arith.addf %add3A_262, %gather3A_269 : vector<16xf32>
        %reduce_max3A = arith.constant true
        %reduce_max3A_271 = vector.broadcast %reduce_max3A : i1 to vector<16xi1>
        %reduce_max3A_272 = tpu.scan <max>, %add3A_270 masked %reduce_max3A_271 : vector<16xf32>, vector<16xi1> -> vector<16xf32>
        %reduce_max3A_273 = vector.extract %reduce_max3A_272[15] : f32 from vector<16xf32>
        %sub3A = vector.broadcast %reduce_max3A_273 : f32 to vector<16xf32>
        %sub3A_274 = arith.subf %add3A_270, %sub3A : vector<16xf32>
        %exp3A = math.exp %sub3A_274 : vector<16xf32>
        %reduce_sum3A = arith.constant true
        %reduce_sum3A_275 = vector.broadcast %reduce_sum3A : i1 to vector<16xi1>
        %reduce_sum3A_276 = tpu.scan <sum>, %exp3A masked %reduce_sum3A_275 : vector<16xf32>, vector<16xi1> -> vector<16xf32>
        %reduce_sum3A_277 = vector.extract %reduce_sum3A_276[15] : f32 from vector<16xf32>
        %div3A = vector.broadcast %reduce_sum3A_277 : f32 to vector<16xf32>
        %div3A_278 = arith.divf %exp3A, %div3A : vector<16xf32>
        %swap3A_279 = arith.constant 0 : index
        %swap3A_280 = tpu.vector_load %arg17[%swap3A_279] {strides = array<i32>} : memref<16xf32, #tpu.memory_space<vmem>>, vector<16xf32>,
        tpu.vector_store %arg17[%swap3A_279], %div3A_278 {strides = array<i32>} : memref<16xf32, #tpu.memory_space<vmem>>, vector<16xf32>,
        %broadcast_in_dim3A_281 = arith.constant 0.000000e+00 : f32
        %broadcast_in_dim3A_282 = vector.broadcast %broadcast_in_dim3A_281 : f32 to vector<16xf32>
        %broadcast_in_dim3A_283 = arith.constant 0.000000e+00 : f32
        %broadcast_in_dim3A_284 = vector.broadcast %broadcast_in_dim3A_283 : f32 to vector<16xf32>
        %broadcast_in_dim3A_285 = arith.constant 0.000000e+00 : f32
        %broadcast_in_dim3A_286 = vector.broadcast %broadcast_in_dim3A_285 : f32 to vector<16xf32>
        %broadcast_in_dim3A_287 = arith.constant 0.000000e+00 : f32
        %broadcast_in_dim3A_288 = vector.broadcast %broadcast_in_dim3A_287 : f32 to vector<16xf32>
        %broadcast_in_dim3A_289 = arith.constant 0.000000e+00 : f32
        %broadcast_in_dim3A_290 = vector.broadcast %broadcast_in_dim3A_289 : f32 to vector<16xf32>
        %broadcast_in_dim3A_291 = arith.constant 0.000000e+00 : f32
        %broadcast_in_dim3A_292 = vector.broadcast %broadcast_in_dim3A_291 : f32 to vector<16xf32>
        %broadcast_in_dim3A_293 = arith.constant 0.000000e+00 : f32
        %broadcast_in_dim3A_294 = vector.broadcast %broadcast_in_dim3A_293 : f32 to vector<16xf32>
        %broadcast_in_dim3A_295 = arith.constant 0.000000e+00 : f32
        %broadcast_in_dim3A_296 = vector.broadcast %broadcast_in_dim3A_295 : f32 to vector<16xf32>
        %scan3A_297 = arith.constant 0 : i32
        %scan3A_298 = arith.constant 16 : i32
        %scan3A_299 = arith.addi %scan3A_297, %scan3A_298 : i32
        %scan3A_300 = arith.constant 1 : i32
        %scan3A_301:8 = scf.for %scan3A_331 = %scan3A_297 to %scan3A_299 step %scan3A_300 iter_args(%scan3A_332 = %broadcast_in_dim3A_282, %scan3A_333 = %broadcast_in_dim3A_284, %scan3A_334 = %broadcast_in_dim3A_286, %scan3A_335 = %broadcast_in_dim3A_288, %scan3A_336 = %broadcast_in_dim3A_290, %scan3A_337 = %broadcast_in_dim3A_292, %scan3A_338 = %broadcast_in_dim3A_294, %scan3A_339 = %broadcast_in_dim3A_296) -> (vector<16xf32>, vector<16xf32>, vector<16xf32>, vector<16xf32>, vector<16xf32>, vector<16xf32>, vector<16xf32>, vector<16xf32>)  : i32 {
          %broadcast_in_dim3A_340 = vector.broadcast %scan3A_331 : i32 to vector<16xi32>
          %gather3A_341 = tpu.vector_load_idx %arg17[%broadcast_in_dim3A_340] : memref<16xf32, #tpu.memory_space<vmem>>[vector<16xi32>], vector<16xf32>,
          %add3A_342 = arith.addi %mul3A_135, %scan3A_331 : i32
          %get3A_343 = arith.index_cast %add3A_342 : i32 to index
          %get3A_344 = arith.constant 0 : index
          %get3A_345 = tpu.vector_load %arg14[%get3A_343, %get3A_344] {strides = array<i32>} : memref<128x128xf32, #tpu.memory_space<vmem>>, vector<16xf32>,
          %mul3A_346 = arith.mulf %gather3A_341, %get3A_345 : vector<16xf32>
          %add3A_347 = arith.addf %scan3A_332, %mul3A_346 : vector<16xf32>
          %get3A_348 = arith.index_cast %add3A_342 : i32 to index
          %get3A_349 = arith.constant 16 : index
          %get3A_350 = tpu.vector_load %arg14[%get3A_348, %get3A_349] {strides = array<i32>} : memref<128x128xf32, #tpu.memory_space<vmem>>, vector<16xf32>,
          %mul3A_351 = arith.mulf %gather3A_341, %get3A_350 : vector<16xf32>
          %add3A_352 = arith.addf %scan3A_333, %mul3A_351 : vector<16xf32>
          %get3A_353 = arith.index_cast %add3A_342 : i32 to index
          %get3A_354 = arith.constant 32 : index
          %get3A_355 = tpu.vector_load %arg14[%get3A_353, %get3A_354] {strides = array<i32>} : memref<128x128xf32, #tpu.memory_space<vmem>>, vector<16xf32>,
          %mul3A_356 = arith.mulf %gather3A_341, %get3A_355 : vector<16xf32>
          %add3A_357 = arith.addf %scan3A_334, %mul3A_356 : vector<16xf32>
          %get3A_358 = arith.index_cast %add3A_342 : i32 to index
          %get3A_359 = arith.constant 48 : index
          %get3A_360 = tpu.vector_load %arg14[%get3A_358, %get3A_359] {strides = array<i32>} : memref<128x128xf32, #tpu.memory_space<vmem>>, vector<16xf32>,
          %mul3A_361 = arith.mulf %gather3A_341, %get3A_360 : vector<16xf32>
          %add3A_362 = arith.addf %scan3A_335, %mul3A_361 : vector<16xf32>
          %get3A_363 = arith.index_cast %add3A_342 : i32 to index
          %get3A_364 = arith.constant 64 : index
          %get3A_365 = tpu.vector_load %arg14[%get3A_363, %get3A_364] {strides = array<i32>} : memref<128x128xf32, #tpu.memory_space<vmem>>, vector<16xf32>,
          %mul3A_366 = arith.mulf %gather3A_341, %get3A_365 : vector<16xf32>
          %add3A_367 = arith.addf %scan3A_336, %mul3A_366 : vector<16xf32>
          %get3A_368 = arith.index_cast %add3A_342 : i32 to index
          %get3A_369 = arith.constant 80 : index
          %get3A_370 = tpu.vector_load %arg14[%get3A_368, %get3A_369] {strides = array<i32>} : memref<128x128xf32, #tpu.memory_space<vmem>>, vector<16xf32>,
          %mul3A_371 = arith.mulf %gather3A_341, %get3A_370 : vector<16xf32>
          %add3A_372 = arith.addf %scan3A_337, %mul3A_371 : vector<16xf32>
          %get3A_373 = arith.index_cast %add3A_342 : i32 to index
          %get3A_374 = arith.constant 96 : index
          %get3A_375 = tpu.vector_load %arg14[%get3A_373, %get3A_374] {strides = array<i32>} : memref<128x128xf32, #tpu.memory_space<vmem>>, vector<16xf32>,
          %mul3A_376 = arith.mulf %gather3A_341, %get3A_375 : vector<16xf32>
          %add3A_377 = arith.addf %scan3A_338, %mul3A_376 : vector<16xf32>
          %get3A_378 = arith.index_cast %add3A_342 : i32 to index
          %get3A_379 = arith.constant 112 : index
          %get3A_380 = tpu.vector_load %arg14[%get3A_378, %get3A_379] {strides = array<i32>} : memref<128x128xf32, #tpu.memory_space<vmem>>, vector<16xf32>,
          %mul3A_381 = arith.mulf %gather3A_341, %get3A_380 : vector<16xf32>
          %add3A_382 = arith.addf %scan3A_339, %mul3A_381 : vector<16xf32>
          scf.yield %add3A_347, %add3A_352, %add3A_357, %add3A_362, %add3A_367, %add3A_372, %add3A_377, %add3A_382 : vector<16xf32>, vector<16xf32>, vector<16xf32>, vector<16xf32>, vector<16xf32>, vector<16xf32>, vector<16xf32>, vector<16xf32>
        }
        %scan3A_302 = arith.constant 16 : i32
        %mul3A_303 = arith.constant 8 : i32
        %mul3A_304 = arith.muli %add3A_53, %mul3A_303 : i32
        %add3A_305 = arith.addi %mul3A_304, %scan3A_132 : i32
        %swap3A_306 = arith.index_cast %add3A_305 : i32 to index
        %swap3A_307 = arith.constant 0 : index
        %swap3A_308 = tpu.vector_load %arg15[%swap3A_306, %swap3A_307] {strides = array<i32>} : memref<320x128xf32, #tpu.memory_space<vmem>>, vector<16xf32>,
        tpu.vector_store %arg15[%swap3A_306, %swap3A_307], %scan3A_301#0 {strides = array<i32>} : memref<320x128xf32, #tpu.memory_space<vmem>>, vector<16xf32>,
        %swap3A_309 = arith.index_cast %add3A_305 : i32 to index
        %swap3A_310 = arith.constant 16 : index
        %swap3A_311 = tpu.vector_load %arg15[%swap3A_309, %swap3A_310] {strides = array<i32>} : memref<320x128xf32, #tpu.memory_space<vmem>>, vector<16xf32>,
        tpu.vector_store %arg15[%swap3A_309, %swap3A_310], %scan3A_301#1 {strides = array<i32>} : memref<320x128xf32, #tpu.memory_space<vmem>>, vector<16xf32>,
        %swap3A_312 = arith.index_cast %add3A_305 : i32 to index
        %swap3A_313 = arith.constant 32 : index
        %swap3A_314 = tpu.vector_load %arg15[%swap3A_312, %swap3A_313] {strides = array<i32>} : memref<320x128xf32, #tpu.memory_space<vmem>>, vector<16xf32>,
        tpu.vector_store %arg15[%swap3A_312, %swap3A_313], %scan3A_301#2 {strides = array<i32>} : memref<320x128xf32, #tpu.memory_space<vmem>>, vector<16xf32>,
        %swap3A_315 = arith.index_cast %add3A_305 : i32 to index
        %swap3A_316 = arith.constant 48 : index
        %swap3A_317 = tpu.vector_load %arg15[%swap3A_315, %swap3A_316] {strides = array<i32>} : memref<320x128xf32, #tpu.memory_space<vmem>>, vector<16xf32>,
        tpu.vector_store %arg15[%swap3A_315, %swap3A_316], %scan3A_301#3 {strides = array<i32>} : memref<320x128xf32, #tpu.memory_space<vmem>>, vector<16xf32>,
        %swap3A_318 = arith.index_cast %add3A_305 : i32 to index
        %swap3A_319 = arith.constant 64 : index
        %swap3A_320 = tpu.vector_load %arg15[%swap3A_318, %swap3A_319] {strides = array<i32>} : memref<320x128xf32, #tpu.memory_space<vmem>>, vector<16xf32>,
        tpu.vector_store %arg15[%swap3A_318, %swap3A_319], %scan3A_301#4 {strides = array<i32>} : memref<320x128xf32, #tpu.memory_space<vmem>>, vector<16xf32>,
        %swap3A_321 = arith.index_cast %add3A_305 : i32 to index
        %swap3A_322 = arith.constant 80 : index
        %swap3A_323 = tpu.vector_load %arg15[%swap3A_321, %swap3A_322] {strides = array<i32>} : memref<320x128xf32, #tpu.memory_space<vmem>>, vector<16xf32>,
        tpu.vector_store %arg15[%swap3A_321, %swap3A_322], %scan3A_301#5 {strides = array<i32>} : memref<320x128xf32, #tpu.memory_space<vmem>>, vector<16xf32>,
        %swap3A_324 = arith.index_cast %add3A_305 : i32 to index
        %swap3A_325 = arith.constant 96 : index
        %swap3A_326 = tpu.vector_load %arg15[%swap3A_324, %swap3A_325] {strides = array<i32>} : memref<320x128xf32, #tpu.memory_space<vmem>>, vector<16xf32>,
        tpu.vector_store %arg15[%swap3A_324, %swap3A_325], %scan3A_301#6 {strides = array<i32>} : memref<320x128xf32, #tpu.memory_space<vmem>>, vector<16xf32>,
        %swap3A_327 = arith.index_cast %add3A_305 : i32 to index
        %swap3A_328 = arith.constant 112 : index
        %swap3A_329 = tpu.vector_load %arg15[%swap3A_327, %swap3A_328] {strides = array<i32>} : memref<320x128xf32, #tpu.memory_space<vmem>>, vector<16xf32>,
        tpu.vector_store %arg15[%swap3A_327, %swap3A_328], %scan3A_301#7 {strides = array<i32>} : memref<320x128xf32, #tpu.memory_space<vmem>>, vector<16xf32>,
        %scan3A_330 = arith.constant 0 : i32
        scf.yield %scan3A_330 : i32
      }
      %scan3A_130 = arith.constant 8 : i32
      %scan3A_131 = arith.constant 0 : i32
      scf.yield %scan3A_131 : i32
    }
    %scan3A_45 = arith.constant 20 : i32
    %mul3A_46 = arith.constant 320 : i32
    %mul3A_47 = arith.muli %add3A, %mul3A_46 : i32
    "tpu.region"() ({
      %run_scoped3A = tpu.sem_alloc : memref<!tpu.dma_semaphore, #tpu.memory_space<semaphore_mem>>
      %dma_start3A_48 = arith.constant 0 : i32
      %dma_start3A_49 = tpu.memref_slice %arg8[%mul3A_47, %dma_start3A_48] : memref<10240x128xf32, #tpu.memory_space<hbm>> -> memref<320x128xf32, #tpu.memory_space<hbm>>
      %dma_start3A_50 = arith.constant 0 : i32
      %dma_start3A_51 = tpu.memref_slice %arg8[%mul3A_47, %dma_start3A_50] : memref<10240x128xf32, #tpu.memory_space<hbm>> -> memref<320x128xf32, #tpu.memory_space<hbm>>
      tpu.enqueue_dma source(%arg15 : memref<320x128xf32, #tpu.memory_space<vmem>>) target(%dma_start3A_51 : memref<320x128xf32, #tpu.memory_space<hbm>>) target_semaphore(%run_scoped3A : memref<!tpu.dma_semaphore, #tpu.memory_space<semaphore_mem>>)
      %dma_wait3A = arith.constant 0 : i32
      %dma_wait3A_52 = tpu.memref_slice %arg8[%mul3A_47, %dma_wait3A] : memref<10240x128xf32, #tpu.memory_space<hbm>> -> memref<320x128xf32, #tpu.memory_space<hbm>>
      %dma_wait3A_53 = arith.constant 0 : i32
      %dma_wait3A_54 = tpu.memref_slice %arg8[%mul3A_47, %dma_wait3A_53] : memref<10240x128xf32, #tpu.memory_space<hbm>> -> memref<320x128xf32, #tpu.memory_space<hbm>>
      tpu.wait_dma2 semaphore(%run_scoped3A : memref<!tpu.dma_semaphore, #tpu.memory_space<semaphore_mem>>) src(%arg15 : memref<320x128xf32, #tpu.memory_space<vmem>>) dst(%dma_wait3A_54 : memref<320x128xf32, #tpu.memory_space<hbm>>)
      tpu.yield
    }) : () -> ()
    return
  }
}

module attributes {stable_mosaic.version = 14 : i64} {
  func.func @body(%arg0: memref<12000x128xf32, #tpu.memory_space<vmem>>, %arg1: memref<128x64xf32, #tpu.memory_space<vmem>>, %arg2: memref<128x64xf32, #tpu.memory_space<vmem>>, %arg3: memref<1x64xf32, #tpu.memory_space<vmem>>, %arg4: memref<12000x128xf32, #tpu.memory_space<vmem>>, %arg5: memref<12000x128xf32, #tpu.memory_space<vmem>>) attributes {dimension_semantics = [], scalar_prefetch = 0 : i64, scratch_operands = 0 : i64, tpu.core_type = #tpu.core_type<tc>} {
    %get3A = arith.constant 0 : index
    %get3A_0 = arith.constant 0 : index
    %get3A_1 = vector.load %arg0[%get3A, %get3A_0] : memref<12000x128xf32, #tpu.memory_space<vmem>>, vector<12000x128xf32>
    %get3A_2 = arith.constant 0 : index
    %get3A_3 = arith.constant 0 : index
    %get3A_4 = vector.load %arg1[%get3A_2, %get3A_3] : memref<128x64xf32, #tpu.memory_space<vmem>>, vector<128x64xf32>
    %dot_general3A = arith.constant dense<0.000000e+00> : vector<12000x64xf32>
    %dot_general3A_5 = tpu.matmul %get3A_1, %get3A_4, %dot_general3A {dimension_numbers = #tpu.dot_dimension_numbers<[1], [0], [0], [1], [0, 0, 1, 1], [], []>, transpose_lhs_hint = false} : vector<12000x128xf32>, vector<128x64xf32>, vector<12000x64xf32> -> vector<12000x64xf32>
    %get3A_6 = arith.constant 0 : index
    %get3A_7 = arith.constant 0 : index
    %get3A_8 = vector.load %arg3[%get3A_6, %get3A_7] : memref<1x64xf32, #tpu.memory_space<vmem>>, vector<1x64xf32>
    %add3A = vector.broadcast %get3A_8 : vector<1x64xf32> to vector<12000x64xf32>
    %add3A_9 = arith.addf %dot_general3A_5, %add3A : vector<12000x64xf32>
    %get3A_10 = arith.constant 0 : index
    %get3A_11 = arith.constant 0 : index
    %get3A_12 = vector.load %arg2[%get3A_10, %get3A_11] : memref<128x64xf32, #tpu.memory_space<vmem>>, vector<128x64xf32>
    %dot_general3A_13 = arith.constant dense<0.000000e+00> : vector<12000x64xf32>
    %dot_general3A_14 = tpu.matmul %get3A_1, %get3A_12, %dot_general3A_13 {dimension_numbers = #tpu.dot_dimension_numbers<[1], [0], [0], [1], [0, 0, 1, 1], [], []>, transpose_lhs_hint = false} : vector<12000x128xf32>, vector<128x64xf32>, vector<12000x64xf32> -> vector<12000x64xf32>
    %mul3A = arith.constant -2.000000e+00 : f32
    %mul3A_15 = vector.broadcast %mul3A : f32 to vector<12000x64xf32>
    %mul3A_16 = arith.mulf %mul3A_15, %add3A_9 : vector<12000x64xf32>
    %broadcast_in_dim3A = arith.constant 0.000000e+00 : f32
    %broadcast_in_dim3A_17 = vector.broadcast %broadcast_in_dim3A : f32 to vector<12000x64xf32>
    %concatenate3A = tpu.concatenate %mul3A_16, %broadcast_in_dim3A_17 in 1 : vector<12000x64xf32>, vector<12000x64xf32> -> vector<12000x128xf32>
    %swap3A = arith.constant 0 : index
    %swap3A_18 = arith.constant 0 : index
    %swap3A_19 = vector.load %arg4[%swap3A, %swap3A_18] : memref<12000x128xf32, #tpu.memory_space<vmem>>, vector<12000x128xf32>
    tpu.vector_store %arg4[%swap3A, %swap3A_18], %concatenate3A {strides = array<i32>} : memref<12000x128xf32, #tpu.memory_space<vmem>>, vector<12000x128xf32>,
    %mul3A_20 = arith.constant -2.000000e+00 : f32
    %mul3A_21 = vector.broadcast %mul3A_20 : f32 to vector<12000x64xf32>
    %mul3A_22 = arith.mulf %mul3A_21, %dot_general3A_14 : vector<12000x64xf32>
    %broadcast_in_dim3A_23 = arith.constant 0.000000e+00 : f32
    %broadcast_in_dim3A_24 = vector.broadcast %broadcast_in_dim3A_23 : f32 to vector<12000x64xf32>
    %concatenate3A_25 = tpu.concatenate %mul3A_22, %broadcast_in_dim3A_24 in 1 : vector<12000x64xf32>, vector<12000x64xf32> -> vector<12000x128xf32>
    %swap3A_26 = arith.constant 0 : index
    %swap3A_27 = arith.constant 0 : index
    %swap3A_28 = vector.load %arg5[%swap3A_26, %swap3A_27] : memref<12000x128xf32, #tpu.memory_space<vmem>>, vector<12000x128xf32>
    tpu.vector_store %arg5[%swap3A_26, %swap3A_27], %concatenate3A_25 {strides = array<i32>} : memref<12000x128xf32, #tpu.memory_space<vmem>>, vector<12000x128xf32>,
    return
  }
}

module attributes {stable_mosaic.version = 14 : i64} {
  func.func @body(%arg0: i32, %arg1: memref<10000x128xf32, #tpu.memory_space<vmem>>, %arg2: memref<1x16x10000xf32, #tpu.memory_space<vmem>>, %arg3: memref<1x16x1xf32, #tpu.memory_space<vmem>>, %arg4: memref<128x768xf32, #tpu.memory_space<vmem>>, %arg5: memref<256x768xf32, #tpu.memory_space<vmem>>, %arg6: memref<1x768xf32, #tpu.memory_space<vmem>>, %arg7: memref<1x768xf32, #tpu.memory_space<vmem>>, %arg8: memref<256x256xf32, #tpu.memory_space<vmem>>, %arg9: memref<1x256xf32, #tpu.memory_space<vmem>>, %arg10: memref<1x16x256xf32, #tpu.memory_space<vmem>>, %arg11: memref<16x256xf32, #tpu.memory_space<vmem>>) attributes {dimension_semantics = [#tpu.dimension_semantics<arbitrary>], iteration_bounds = array<i64: 50>, scalar_prefetch = 0 : i64, scratch_operands = 1 : i64, tpu.core_type = #tpu.core_type<tc>, window_params = [{pipeline_mode = #tpu.pipeline_mode<synchronous>, transform_indices = @transform_0, window_bounds = array<i64: 10000, 128>}, {transform_indices = @transform_1, window_bounds = array<i64: 1, 16, 10000>}, {transform_indices = @transform_2, window_bounds = array<i64: 1, 16, 1>}, {pipeline_mode = #tpu.pipeline_mode<synchronous>, transform_indices = @transform_3, window_bounds = array<i64: 128, 768>}, {pipeline_mode = #tpu.pipeline_mode<synchronous>, transform_indices = @transform_4, window_bounds = array<i64: 256, 768>}, {pipeline_mode = #tpu.pipeline_mode<synchronous>, transform_indices = @transform_5, window_bounds = array<i64: 1, 768>}, {pipeline_mode = #tpu.pipeline_mode<synchronous>, transform_indices = @transform_6, window_bounds = array<i64: 1, 768>}, {pipeline_mode = #tpu.pipeline_mode<synchronous>, transform_indices = @transform_7, window_bounds = array<i64: 256, 256>}, {pipeline_mode = #tpu.pipeline_mode<synchronous>, transform_indices = @transform_8, window_bounds = array<i64: 1, 256>}, {transform_indices = @transform_9, window_bounds = array<i64: 1, 16, 256>}]} {
    %eq3A = arith.constant 0 : i32
    %eq3A_0 = arith.cmpi eq, %arg0, %eq3A : i32
    %convert_element_type3A = arith.extui %eq3A_0 : i1 to i32
    %cond3A = arith.constant 0 : i32
    %cond3A_1 = arith.cmpi ne, %convert_element_type3A, %cond3A : i32
    scf.if %cond3A_1 {
      %broadcast_in_dim3A_84 = arith.constant 0.000000e+00 : f32
      %broadcast_in_dim3A_85 = vector.broadcast %broadcast_in_dim3A_84 : f32 to vector<16x256xf32>
      %swap3A_86 = arith.constant 0 : index
      %swap3A_87 = arith.constant 0 : index
      %swap3A_88 = vector.load %arg11[%swap3A_86, %swap3A_87] : memref<16x256xf32, #tpu.memory_space<vmem>>, vector<16x256xf32>
      tpu.vector_store %arg11[%swap3A_86, %swap3A_87], %broadcast_in_dim3A_85 {strides = array<i32>} : memref<16x256xf32, #tpu.memory_space<vmem>>, vector<16x256xf32>,
    } else {
    }
    %get3A = arith.constant 0 : index
    %get3A_2 = arith.constant 0 : index
    %get3A_3 = arith.constant 0 : index
    %get3A_4 = vector.load %arg2[%get3A, %get3A_2, %get3A_3] : memref<1x16x10000xf32, #tpu.memory_space<vmem>>, vector<1x16x10000xf32>
    %get3A_5 = vector.shape_cast %get3A_4 : vector<1x16x10000xf32> to vector<16x10000xf32>
    %get3A_6 = arith.constant 0 : index
    %get3A_7 = arith.constant 0 : index
    %get3A_8 = vector.load %arg1[%get3A_6, %get3A_7] : memref<10000x128xf32, #tpu.memory_space<vmem>>, vector<10000x128xf32>
    %dot_general3A = arith.constant dense<0.000000e+00> : vector<16x128xf32>
    %dot_general3A_9 = tpu.matmul %get3A_5, %get3A_8, %dot_general3A {dimension_numbers = #tpu.dot_dimension_numbers<[1], [0], [0], [1], [0, 0, 1, 1], [], []>, transpose_lhs_hint = false} : vector<16x10000xf32>, vector<10000x128xf32>, vector<16x128xf32> -> vector<16x128xf32>
    %tanh3A = math.tanh %dot_general3A_9 : vector<16x128xf32>
    %get3A_10 = arith.constant 0 : index
    %get3A_11 = arith.constant 0 : index
    %get3A_12 = vector.load %arg11[%get3A_10, %get3A_11] : memref<16x256xf32, #tpu.memory_space<vmem>>, vector<16x256xf32>
    %get3A_13 = arith.constant 0 : index
    %get3A_14 = arith.constant 0 : index
    %get3A_15 = vector.load %arg4[%get3A_13, %get3A_14] : memref<128x768xf32, #tpu.memory_space<vmem>>, vector<128x768xf32>
    %dot_general3A_16 = arith.constant dense<0.000000e+00> : vector<16x768xf32>
    %dot_general3A_17 = tpu.matmul %tanh3A, %get3A_15, %dot_general3A_16 {dimension_numbers = #tpu.dot_dimension_numbers<[1], [0], [0], [1], [0, 0, 1, 1], [], []>, transpose_lhs_hint = false} : vector<16x128xf32>, vector<128x768xf32>, vector<16x768xf32> -> vector<16x768xf32>
    %get3A_18 = arith.constant 0 : index
    %get3A_19 = arith.constant 0 : index
    %get3A_20 = vector.load %arg6[%get3A_18, %get3A_19] : memref<1x768xf32, #tpu.memory_space<vmem>>, vector<1x768xf32>
    %add3A = vector.broadcast %get3A_20 : vector<1x768xf32> to vector<16x768xf32>
    %add3A_21 = arith.addf %dot_general3A_17, %add3A : vector<16x768xf32>
    %get3A_22 = arith.constant 0 : index
    %get3A_23 = arith.constant 0 : index
    %get3A_24 = vector.load %arg5[%get3A_22, %get3A_23] : memref<256x768xf32, #tpu.memory_space<vmem>>, vector<256x768xf32>
    %dot_general3A_25 = arith.constant dense<0.000000e+00> : vector<16x768xf32>
    %dot_general3A_26 = tpu.matmul %get3A_12, %get3A_24, %dot_general3A_25 {dimension_numbers = #tpu.dot_dimension_numbers<[1], [0], [0], [1], [0, 0, 1, 1], [], []>, transpose_lhs_hint = false} : vector<16x256xf32>, vector<256x768xf32>, vector<16x768xf32> -> vector<16x768xf32>
    %get3A_27 = arith.constant 0 : index
    %get3A_28 = arith.constant 0 : index
    %get3A_29 = vector.load %arg7[%get3A_27, %get3A_28] : memref<1x768xf32, #tpu.memory_space<vmem>>, vector<1x768xf32>
    %add3A_30 = vector.broadcast %get3A_29 : vector<1x768xf32> to vector<16x768xf32>
    %add3A_31 = arith.addf %dot_general3A_26, %add3A_30 : vector<16x768xf32>
    %slice3A = vector.extract_strided_slice %add3A_21 {offsets = [0, 0], sizes = [16, 256], strides = [1, 1]} : vector<16x768xf32> to vector<16x256xf32>
    %slice3A_32 = vector.extract_strided_slice %add3A_31 {offsets = [0, 0], sizes = [16, 256], strides = [1, 1]} : vector<16x768xf32> to vector<16x256xf32>
    %add3A_33 = arith.addf %slice3A, %slice3A_32 : vector<16x256xf32>
    %logistic3A = arith.negf %add3A_33 : vector<16x256xf32>
    %logistic3A_34 = math.exp %logistic3A : vector<16x256xf32>
    %logistic3A_35 = arith.constant 1.000000e+00 : f32
    %logistic3A_36 = vector.broadcast %logistic3A_35 : f32 to vector<16x256xf32>
    %logistic3A_37 = arith.addf %logistic3A_36, %logistic3A_34 : vector<16x256xf32>
    %logistic3A_38 = arith.divf %logistic3A_36, %logistic3A_37 : vector<16x256xf32>
    %slice3A_39 = vector.extract_strided_slice %add3A_21 {offsets = [0, 256], sizes = [16, 256], strides = [1, 1]} : vector<16x768xf32> to vector<16x256xf32>
    %slice3A_40 = vector.extract_strided_slice %add3A_31 {offsets = [0, 256], sizes = [16, 256], strides = [1, 1]} : vector<16x768xf32> to vector<16x256xf32>
    %add3A_41 = arith.addf %slice3A_39, %slice3A_40 : vector<16x256xf32>
    %logistic3A_42 = arith.negf %add3A_41 : vector<16x256xf32>
    %logistic3A_43 = math.exp %logistic3A_42 : vector<16x256xf32>
    %logistic3A_44 = arith.constant 1.000000e+00 : f32
    %logistic3A_45 = vector.broadcast %logistic3A_44 : f32 to vector<16x256xf32>
    %logistic3A_46 = arith.addf %logistic3A_45, %logistic3A_43 : vector<16x256xf32>
    %logistic3A_47 = arith.divf %logistic3A_45, %logistic3A_46 : vector<16x256xf32>
    %slice3A_48 = vector.extract_strided_slice %add3A_21 {offsets = [0, 512], sizes = [16, 256], strides = [1, 1]} : vector<16x768xf32> to vector<16x256xf32>
    %slice3A_49 = vector.extract_strided_slice %add3A_31 {offsets = [0, 512], sizes = [16, 256], strides = [1, 1]} : vector<16x768xf32> to vector<16x256xf32>
    %mul3A = arith.mulf %logistic3A_38, %slice3A_49 : vector<16x256xf32>
    %add3A_50 = arith.addf %slice3A_48, %mul3A : vector<16x256xf32>
    %tanh3A_51 = math.tanh %add3A_50 : vector<16x256xf32>
    %sub3A = arith.constant 1.000000e+00 : f32
    %sub3A_52 = vector.broadcast %sub3A : f32 to vector<16x256xf32>
    %sub3A_53 = arith.subf %sub3A_52, %logistic3A_47 : vector<16x256xf32>
    %mul3A_54 = arith.mulf %sub3A_53, %tanh3A_51 : vector<16x256xf32>
    %mul3A_55 = arith.mulf %logistic3A_47, %get3A_12 : vector<16x256xf32>
    %add3A_56 = arith.addf %mul3A_54, %mul3A_55 : vector<16x256xf32>
    %swap3A = arith.constant 0 : index
    %swap3A_57 = arith.constant 0 : index
    %swap3A_58 = vector.load %arg11[%swap3A, %swap3A_57] : memref<16x256xf32, #tpu.memory_space<vmem>>, vector<16x256xf32>
    tpu.vector_store %arg11[%swap3A, %swap3A_57], %add3A_56 {strides = array<i32>} : memref<16x256xf32, #tpu.memory_space<vmem>>, vector<16x256xf32>,
    %get3A_59 = arith.constant 0 : index
    %get3A_60 = arith.constant 0 : index
    %get3A_61 = vector.load %arg8[%get3A_59, %get3A_60] : memref<256x256xf32, #tpu.memory_space<vmem>>, vector<256x256xf32>
    %dot_general3A_62 = arith.constant dense<0.000000e+00> : vector<16x256xf32>
    %dot_general3A_63 = tpu.matmul %add3A_56, %get3A_61, %dot_general3A_62 {dimension_numbers = #tpu.dot_dimension_numbers<[1], [0], [0], [1], [0, 0, 1, 1], [], []>, transpose_lhs_hint = false} : vector<16x256xf32>, vector<256x256xf32>, vector<16x256xf32> -> vector<16x256xf32>
    %get3A_64 = arith.constant 0 : index
    %get3A_65 = arith.constant 0 : index
    %get3A_66 = vector.load %arg9[%get3A_64, %get3A_65] : memref<1x256xf32, #tpu.memory_space<vmem>>, vector<1x256xf32>
    %add3A_67 = vector.broadcast %get3A_66 : vector<1x256xf32> to vector<16x256xf32>
    %add3A_68 = arith.addf %dot_general3A_63, %add3A_67 : vector<16x256xf32>
    %exp3A = math.exp %add3A_68 : vector<16x256xf32>
    %reduce_sum3A = arith.constant dense<0.000000e+00> : vector<16xf32>
    %reduce_sum3A_69 = vector.multi_reduction <add>, %exp3A, %reduce_sum3A [1] : vector<16x256xf32> to vector<16xf32>
    %broadcast_in_dim3A = vector.shape_cast %reduce_sum3A_69 : vector<16xf32> to vector<16x1xf32>
    %div3A = vector.broadcast %broadcast_in_dim3A : vector<16x1xf32> to vector<16x256xf32>
    %div3A_70 = arith.divf %exp3A, %div3A : vector<16x256xf32>
    %get3A_71 = arith.constant 0 : index
    %get3A_72 = arith.constant 0 : index
    %get3A_73 = arith.constant 0 : index
    %get3A_74 = vector.load %arg3[%get3A_71, %get3A_72, %get3A_73] : memref<1x16x1xf32, #tpu.memory_space<vmem>>, vector<1x16x1xf32>
    %get3A_75 = vector.shape_cast %get3A_74 : vector<1x16x1xf32> to vector<16x1xf32>
    %mul3A_76 = vector.broadcast %get3A_75 : vector<16x1xf32> to vector<16x256xf32>
    %mul3A_77 = arith.mulf %div3A_70, %mul3A_76 : vector<16x256xf32>
    %swap3A_78 = arith.constant 0 : index
    %swap3A_79 = arith.constant 0 : index
    %swap3A_80 = arith.constant 0 : index
    %swap3A_81 = vector.load %arg10[%swap3A_78, %swap3A_79, %swap3A_80] : memref<1x16x256xf32, #tpu.memory_space<vmem>>, vector<1x16x256xf32>
    %swap3A_82 = vector.shape_cast %swap3A_81 : vector<1x16x256xf32> to vector<16x256xf32>
    %swap3A_83 = vector.shape_cast %mul3A_77 : vector<16x256xf32> to vector<1x16x256xf32>
    tpu.vector_store %arg10[%swap3A_78, %swap3A_79, %swap3A_80], %swap3A_83 {strides = array<i32>} : memref<1x16x256xf32, #tpu.memory_space<vmem>>, vector<1x16x256xf32>,
    return
  }
  func.func @transform_0(%arg0: i32) -> (i32, i32) {
    %c0_i32 = arith.constant 0 : i32
    %c0_i32_0 = arith.constant 0 : i32
    %c0_i32_1 = arith.constant 0 : i32
    return %c0_i32, %c0_i32_0 : i32, i32
  }
  func.func @transform_1(%arg0: i32) -> (i32, i32, i32) {
    %c0_i32 = arith.constant 0 : i32
    %c0_i32_0 = arith.constant 0 : i32
    %c0_i32_1 = arith.constant 0 : i32
    return %arg0, %c0_i32, %c0_i32_0 : i32, i32, i32
  }
  func.func @transform_2(%arg0: i32) -> (i32, i32, i32) {
    %c0_i32 = arith.constant 0 : i32
    %c0_i32_0 = arith.constant 0 : i32
    %c0_i32_1 = arith.constant 0 : i32
    return %arg0, %c0_i32, %c0_i32_0 : i32, i32, i32
  }
  func.func @transform_3(%arg0: i32) -> (i32, i32) {
    %c0_i32 = arith.constant 0 : i32
    %c0_i32_0 = arith.constant 0 : i32
    %c0_i32_1 = arith.constant 0 : i32
    return %c0_i32, %c0_i32_0 : i32, i32
  }
  func.func @transform_4(%arg0: i32) -> (i32, i32) {
    %c0_i32 = arith.constant 0 : i32
    %c0_i32_0 = arith.constant 0 : i32
    %c0_i32_1 = arith.constant 0 : i32
    return %c0_i32, %c0_i32_0 : i32, i32
  }
  func.func @transform_5(%arg0: i32) -> (i32, i32) {
    %c0_i32 = arith.constant 0 : i32
    %c0_i32_0 = arith.constant 0 : i32
    %c0_i32_1 = arith.constant 0 : i32
    return %c0_i32, %c0_i32_0 : i32, i32
  }
  func.func @transform_6(%arg0: i32) -> (i32, i32) {
    %c0_i32 = arith.constant 0 : i32
    %c0_i32_0 = arith.constant 0 : i32
    %c0_i32_1 = arith.constant 0 : i32
    return %c0_i32, %c0_i32_0 : i32, i32
  }
  func.func @transform_7(%arg0: i32) -> (i32, i32) {
    %c0_i32 = arith.constant 0 : i32
    %c0_i32_0 = arith.constant 0 : i32
    %c0_i32_1 = arith.constant 0 : i32
    return %c0_i32, %c0_i32_0 : i32, i32
  }
  func.func @transform_8(%arg0: i32) -> (i32, i32) {
    %c0_i32 = arith.constant 0 : i32
    %c0_i32_0 = arith.constant 0 : i32
    %c0_i32_1 = arith.constant 0 : i32
    return %c0_i32, %c0_i32_0 : i32, i32
  }
  func.func @transform_9(%arg0: i32) -> (i32, i32, i32) {
    %c0_i32 = arith.constant 0 : i32
    %c0_i32_0 = arith.constant 0 : i32
    %c0_i32_1 = arith.constant 0 : i32
    return %arg0, %c0_i32, %c0_i32_0 : i32, i32, i32
  }
}

</mosaic_0001>

<sc_bundles>
// kernel: kernel.5.cloned.1.call-start
scs
__scs_entry_jumppad:
0x0: {  	(pc) =	sbr.rel $0x88, $3  }
0x1: {  	(tag) =	ssettag $0x0;
	lr =	simm.s32 $0x1  }
0x2: {  	[smem:$0x3F93] =	sst lr;
	_ =	strace $0xD0000000  }
0x3: {  	_ = 	snop  }
0x4: {  	_ = 	snop  }
0x5: {  	_ = 	snop  }
0x6: {  	_ = 	snop  }
0x7: {  	_ = 	snop  }
__scs_overlays_trampoline_lowered:
0x8: {  	[smem:$0x3FA2] =	sst s0  }
0x9: {  	[smem:$0x3FA3] =	sst s1  }
0xa: {  	[smem:$0x3FA4] =	sst s2  }
0xb: {  	[smem:$0x3FA5] =	sst s3  }
0xc: {  	[smem:$0x3FA6] =	sst s4  }
0xd: {  	[smem:$0x3FA7] =	sst s5  }
0xe: {  	[smem:$0x3FA8] =	sst s6  }
0xf: {  	[smem:$0x3FA9] =	sst s7  }
0x10: {  	[smem:$0x3FAA] =	sst s8  }
0x11: {  	[smem:$0x3FAB] =	sst s9;
	s0 =	simm.s32 @!p0 $0x0  }
0x12: {  	s1 =	sld [smem:$0x3F91];
	s0 =	simm.s32 @p0 $0x1  }
0x13: {  	[smem:$0x3FAC] =	sst s0;
	s0 =	simm.s32 @!p1 $0x0  }
0x14: {  	s2 =	sld [smem:$0x3F90];
	s0 =	simm.s32 @p1 $0x1  }
0x15: {  	[smem:$0x3FAD] =	sst s0;
	s0 =	simm.s32 @!p2 $0x0  }
0x16: {  	s3 =	sld [smem:$0x3FDB];
	s0 =	simm.s32 @p2 $0x1  }
0x17: {  	s4 =	simm.s32 $0x1BF5;
	[smem:$0x3FAF] =	sst s0  }
0x18: {  	s0 =	sld [smem:$0x3F92];
	_ =	swait.ge [sflag:s4], $0x0  }
0x19: {  	s7 =	sld [smem:$0x3F93]  }
0x1a: {  	s8 =	sadd.s32 $0xFFFFE003, lr  }
0x1b: {  	s9 =	sadd.s32 $0xFFFFFEF7, lr;
	s5 =	simm.s32 $0xFFFFFFFF;
	p2 =	slt.u32 s8, $0xFFFFF086  }
0x1c: {  	p1 =	slt.u32 s9, $0xF7A;
	s5 =	simm.s32 @!p2 $0x0  }
0x1d: {  	s5 =	simm.s32 @p1 $0x1;
	p0 =	seq.s32 s7, s2  }
0x1e: {  	s7 =	smul.u32 @!p0 $0xF7A, s2;
	p2 =	seq.s32 @!p0 s5, $0x0  }
0x1f: {  	s9 =	smul.u32 $0xF7A, s1;
	s8 =	simm.s32 @!p0 $0x1BF5;
	p2 =	por !p2, p0  }
0x20: {  	[sflag:s8] =	ssyncset.s32 @!p0 $0xFFFFF086;
	s6 =	sadd.s32 @!p0 s3, s7;
	s7 =	simm.s32 @!p0 $0x108  }
0x21: {  	s3 =	sadd.s32 s3, s9;
	s6 =	sadd.s32 @!p0 $0x88, s6;
	s7 =	simm.s32 @p2 $0x1082  }
0x22: {  	[simem:s7], [sflag:s8] =	dma.local @!p0 [hbm:s6], $0xF7A  }
0x23: {  	s9 =	sor.u32 $0xD0000000, s2;
	s6 =	simm.s32 $0x108;
	_ =	swait.ge @!p0 [sflag:s8], $0x0  }
0x24: {  	s3 =	sadd.s32 $0x88, s3;
	s6 =	simm.s32 @!p1 $0x1082;
	[sflag:s4] =	ssyncset.s32 $0xFFFFF086  }
0x25: {  	[simem:s6], [sflag:s4] =	dma.local [hbm:s3], $0xF7A  }
0x26: {  	[smem:$0x3F93] =	sst s1;
	(tag) =	ssettag s2;
	_ =	strace s9  }
0x27: {  	s1 =	sld [smem:$0x3FA3]  }
0x28: {  	s2 =	sld [smem:$0x3FA4]  }
0x29: {  	s4 =	sld [smem:$0x3FA6]  }
0x2a: {  	p0 =	seq.s32 s5, $0x0;
	s5 =	sld [smem:$0x3FA7]  }
0x2b: {  	s6 =	sld [smem:$0x3FA8]  }
0x2c: {  	s7 =	sld [smem:$0x3FA9]  }
0x2d: {  	s3 =	simm.s32 $0x108;
	s8 =	sld [smem:$0x3FAA]  }
0x2e: {  	s3 =	simm.s32 @!p0 $0x1082;
	s9 =	sld [smem:$0x3FAB]  }
0x2f: {  	lr =	sadd.s32 s0, s3;
	s0 =	sld [smem:$0x3FA2]  }
0x30: {  	s3 =	sld [smem:$0x3FA5]  }
0x31: {  	[smem:$0x3FAE] =	sst s10  }
0x32: {  	s10 =	sld [smem:$0x3FAC];
	_ =	sdelay $0x3  }
0x33: {  	p0 =	seq.s32 s10, $0x1;
	s10 =	sld [smem:$0x3FAE];
	_ =	sdelay $0x3  }
0x34: {  	[smem:$0x3FAE] =	sst s10  }
0x35: {  	s10 =	sld [smem:$0x3FAD];
	_ =	sdelay $0x3  }
0x36: {  	p1 =	seq.s32 s10, $0x1;
	s10 =	sld [smem:$0x3FAE];
	_ =	sdelay $0x3  }
0x37: {  	[smem:$0x3FAE] =	sst s10  }
0x38: {  	s10 =	sld [smem:$0x3FAF]  }
0x39: {  	_ = 	snop;
	(pc) =	sbr.ind lr, $3  }
0x3a: {  	_ = 	snop  }
0x3b: {  	_ = 	snop  }
0x3c: {  	p2 =	seq.s32 s10, $0x1;
	s10 =	sld [smem:$0x3FAE]  }
0x3d: {  	_ =	shalt  }
0x3e: {  	_ =	shalt  }
0x3f: {  	_ =	shalt  }
0x40: {  	_ =	shalt  }
0x41: {  	_ =	shalt  }
0x42: {  	_ =	shalt  }
0x43: {  	_ =	shalt  }
0x44: {  	_ =	shalt  }
0x45: {  	_ =	shalt  }
0x46: {  	_ =	shalt  }
0x47: {  	_ =	shalt  }
0x48: {  	_ =	shalt  }
0x49: {  	_ =	shalt  }
0x4a: {  	_ =	shalt  }
0x4b: {  	_ =	shalt  }
0x4c: {  	_ =	shalt  }
0x4d: {  	_ =	shalt  }
0x4e: {  	_ =	shalt  }
0x4f: {  	_ =	shalt  }
0x50: {  	_ =	shalt  }
0x51: {  	_ =	shalt  }
0x52: {  	_ =	shalt  }
0x53: {  	_ =	shalt  }
0x54: {  	_ =	shalt  }
0x55: {  	_ =	shalt  }
0x56: {  	_ =	shalt  }
0x57: {  	_ =	shalt  }
0x58: {  	_ =	shalt  }
0x59: {  	_ =	shalt  }
0x5a: {  	_ =	shalt  }
0x5b: {  	_ =	shalt  }
0x5c: {  	_ =	shalt  }
0x5d: {  	_ =	shalt  }
0x5e: {  	_ =	shalt  }
0x5f: {  	_ =	shalt  }
0x60: {  	_ =	shalt  }
0x61: {  	_ =	shalt  }
0x62: {  	_ =	shalt  }
0x63: {  	_ =	shalt  }
0x64: {  	_ =	shalt  }
0x65: {  	_ =	shalt  }
0x66: {  	_ =	shalt  }
0x67: {  	_ =	shalt  }
0x68: {  	_ =	shalt  }
0x69: {  	_ =	shalt  }
0x6a: {  	_ =	shalt  }
0x6b: {  	_ =	shalt  }
0x6c: {  	_ =	shalt  }
0x6d: {  	_ =	shalt  }
0x6e: {  	_ =	shalt  }
0x6f: {  	_ =	shalt  }
0x70: {  	_ =	shalt  }
0x71: {  	_ =	shalt  }
0x72: {  	_ =	shalt  }
0x73: {  	_ =	shalt  }
0x74: {  	_ =	shalt  }
0x75: {  	_ =	shalt  }
0x76: {  	_ =	shalt  }
0x77: {  	_ =	shalt  }
0x78: {  	_ =	shalt  }
0x79: {  	_ =	shalt  }
0x7a: {  	_ =	shalt  }
0x7b: {  	_ =	shalt  }
0x7c: {  	_ =	shalt  }
0x7d: {  	_ =	shalt  }
0x7e: {  	_ =	shalt  }
0x7f: {  	_ =	shalt  }
0x80: {  	_ =	shalt  }
0x81: {  	_ =	shalt  }
0x82: {  	_ =	shalt  }
0x83: {  	_ =	shalt  }
0x84: {  	_ =	shalt  }
0x85: {  	_ =	shalt  }
0x86: {  	_ =	shalt  }
0x87: {  	_ =	shalt  }
.Lfunc_end0:
.L_simem_size_0:
called_computation_lowered:
.L_overlay_start_0:
0x88: {  	s2 =	sld [smem:$0x3FD9]  }
0x89: {  	s3 =	sld [smem:$0x3FFE];
	_ =	sdelay $0x1  }
0x8a: {  	s1 =	srdreg.scid  }
0x8b: {  	s0 =	sand.u32 $0x1, s1  }
0x8c: {  	s17 =	sshll.u32 s0, $0xA;
	s2 =	sadd.s32 s3, s2  }
0x8d: {  	s2 =	sadd.s32 s2, s17  }
0x8e: {  	[smem:$0x3FBA] =	sst s2  }
0x8f: {  	_ = 	snop  }
0x90: {  	s2 =	sld [smem:$0x3FC5]  }
0x91: {  	s18 =	sld [smem:$0x3FC2]  }
0x92: {  	s4 =	sld [smem:$0x3FD0];
	(tm) =	ssettm $0x1  }
0x93: {  	s5 =	sld [smem:$0x3FFB];
	_ =	sdelay $0x3  }
0x94: {  	_ =	strace s5  }
0x95: {  	s5 =	sld [smem:$0x3FFC];
	_ =	sdelay $0x3  }
0x96: {  	_ =	strace s5  }
0x97: {  	s5 =	sld [smem:$0x3FFD];
	_ =	sdelay $0x3  }
0x98: {  	_ =	strace s5  }
0x99: {  	_ =	strace $0x8FFFFFFF  }
0x9a: {  	s19 =	sld [smem:$0x3FDB];
	_ =	sdelay $0x1  }
0x9b: {  	s6 =	simm.s32 $_scs_section_size  }
0x9c: {  	s7 =	simm.s32 $_size__tile_overlayer_lowered;
	s8 =	simm.s32 $_tile_overlayer_lowered  }
0x9d: {  	s22 =	simm.s32 $0x1BFF;
	s21 =	sshll.u32 s8, $0x1;
	s5 =	sadd.s32 s6, s19  }
0x9e: {  	s9 =	simm.s32 $0x0;
	s20 =	sshll.u32 s7, $0x1;
	s7 =	sadd.s32 s21, s5  }
0x9f: {  	[timem:s9], [sflag:s22] =	dma.local [hbm:s7], s20  }
0xa0: {  	_ =	swait.ge [sflag:s22], s20  }
0xa1: {  	s6 =	ssub.s32 $0x0, s20;
	[sflag:s22] =	ssyncset.done $0x0  }
0xa2: {  	[sflag:s22] =	ssyncadd.s32 s6;
	_ =	sdelay $0x1  }
0xa3: {  	s23 =	simm.s32 $0x1B8B  }
0xa4: {  	_ =	swait.ge [sflag:s23], $0x1  }
0xa5: {  	[sflag:s23] =	ssyncset.done $0x0  }
0xa6: {  	s25 =	simm.s32 $0x1B8E;
	s24 =	sld [smem:$0x3FFE];
	[sflag:s23] =	ssyncadd.s32 $0xFFFFFFFF  }
0xa7: {  	s26 =	simm.s32 $execute0_lowered;
	[smem:$0x3FD2] =	sst s25  }
0xa8: {  	s7 =	sshll.u32 s26, $0x1;
	_ =	strace $0x80000046;
	[dreg:$0x1] =	wrdreg $0xFFFFFFFF  }
0xa9: {  	s28 =	simm.s32 $_size_execute0_lowered;
	s5 =	sadd.s32 s5, s7;
	[dreg:$0x0] =	wrdreg $0x0  }
0xaa: {  	s7 =	sshll.u32 s28, $0x1;
	[dreg:$0x2] =	wrdreg s5  }
0xab: {  	[dreg:$0x3] =	wrdreg s7  }
0xac: {  	[dreg:$0x4] =	wrdreg $0xC0  }
0xad: {  	_ =	task [dreg:s9], $0x5FFFF  }
0xae: {  	[dreg:$0x1] =	wrdreg $0xFFFFFFFF  }
0xaf: {  	[dreg:$0x0] =	wrdreg $0x60  }
0xb0: {  	[dreg:$0x2] =	wrdreg s24  }
0xb1: {  	[dreg:$0x3] =	wrdreg s2  }
0xb2: {  	[dreg:$0x4] =	wrdreg s18  }
0xb3: {  	[dreg:$0x5] =	wrdreg s4  }
0xb4: {  	[dreg:$0x6] =	wrdreg $0x9  }
0xb5: {  	_ =	task.clear_ibuf [dreg:s9], $0x7FFFF;
	_ =	strace $0x90000046  }
0xb6: {  	s29 =	simm.s32 $0x9;
	_ =	strace $0x80000048  }
0xb7: {  	_ =	swait.ge [sflag:s29], $0x1  }
0xb8: {  	[sflag:s29] =	ssyncadd.s32 $0xFFFFFFFF  }
0xb9: {  	_ =	strace $0x90000048  }
0xba: {  	_ =	sfence  }
0xbb: {  	s30 =	sld [smem:$0x0];
	_ =	sdelay $0x2  }
0xbc: {  	s31 =	sshll.u32 s1, $0xD;
	s1 =	sshrl.u32 s1, $0x2  }
0xbd: {  	s3 =	sand.u32 $0x4000, s31;
	s1 =	sadd.s32 s1, s30  }
0xbe: {  	s0 =	sor.u32 s3, s0;
	s1 =	sshll.u32 s1, $0x11  }
0xbf: {  	s0 =	sor.u32 s1, s0  }
0xc0: {  	s0 =	sadd.s32 $0x8F2B, s0  }
0xc1: {  	[sflag:s0] =	ssyncadd.remote.s32 $0x1  }
0xc2: {  	_ =	sfence.sel $0xFFFF  }
0xc3: {  	[dreg:$0x0] =	wrdreg $0xFFFFFFFF;
	(pc) =	sbr.abs _section_cstart, $3  }
0xc4: {  	[dreg:$0x1] =	wrdreg $0xFFFFFFFF  }
0xc5: {  	_ =	task.clear_ibuf [dreg:s9], $0x2FFFF;
	_ =	strace $0x9FFFFFFF  }
0xc6: {  	(tm) =	ssettm $0x7FFFFFFF  }
0xc7: {  	_ =	shalt  }
tec
execute0_lowered:
.L_overlay_start_1:
0x0: {  	(tag) =	ssettag $0x1  }
0x1: {  	s0 =	rddreg [dreg:$0x0]  }
0x2: {  	s1 =	rddreg [dreg:$0x1]  }
0x3: {  	s2 =	srdreg.scid;
	s4 =	stileid.u32  }
0x4: {  	s3 =	rddreg [dreg:$0x3];
	s11 =	simm.s32 $0x5;
	s12 =	simm.s32 $0x1400  }
0x5: {  	s14 =	simm.s32 $0x80;
	s15 =	simm.s32 $0x2800;
	s17 =	simm.s32 $0x1  }
0x6: {  	s18 =	simm.s32 $0x6800;
	s19 =	simm.s32 $0xE800;
	s20 =	simm.s32 $0x3  }
0x7: {  	v0 =	vlaneseq.u32;
	s21 =	simm.s32 $0x1C800;
	s22 =	simm.s32 $0x1C900;
	s23 =	simm.s32 $0x2  }
0x8: {  	s24 =	simm.s32 $0x4;
	s2 =	sand.u32 $0x1, s2;
	s5 =	sshll.u32 s4, $0x1;
	v0 =	vmul.u32 $0x10, v0  }
0x9: {  	s26 =	simm.s32 $0x0;
	s4 =	simm.s32 $0x0;
	s5 =	sor.u32 s2, s5  }
0xa: {  	s6 =	sadd.s32 $0x36400, s0;
	s2 =	ssub.s32 $0x2, s2;
	s7 =	smul.u32 $0x280, s5;
	v1 =	vor.u32 $0x1, v0;
	v2 =	vor.u32 $0x2, v0;
	v3 =	vor.u32 $0x3, v0  }
0xb: {  	[smem:$0x7FF] =	sst s4;
	s8 =	smul.u32 $0x1400, s5;
	s31 =	sshrl.u32 s2, $0x1;
	v4 =	vor.u32 $0x4, v0;
	v5 =	vor.u32 $0x5, v0;
	v6 =	vor.u32 $0x6, v0  }
0xc: {  	_ =	strace $0x80000047;
	s5 =	sadd.s32 $0x7600, s0;
	v7 =	vor.u32 $0x7, v0;
	v8 =	vor.u32 $0x8, v0;
	v9 =	vor.u32 $0x9, v0;
	s2 =	ssub.s32 s2, s31  }
0xd: {  	v10 =	vor.u32 $0xA, v0;
	v11 =	vor.u32 $0xB, v0;
	v12 =	vor.u32 $0xC, v0;
	s9 =	sadd.s32 s7, s0;
	s0 =	sadd.s32 s8, s0;
	s7 =	sadd.s32 s3, s7  }
0xe: {  	v13 =	vor.u32 $0xD, v0;
	v14 =	vor.u32 $0xE, v0;
	v15 =	vor.u32 $0xF, v0;
	s10 =	smax.u32 s2, $0x1;
	s8 =	sadd.s32 $0x2600, s9;
	s9 =	sadd.s32 $0x65200, s0  }
.LBB2_1:
0xf: {  	[tilespmem:s4], [sflag:$0x5] =	stream.linear.gather [hbm4b:s7+s4], $0x1400, $0x38;
	[tilespmem:$0x1CA00] =	vst v63  }
0x10: {  	_ =	swait.ge [sflag:s11], $0x1400  }
0x11: {  	[sflag:s11] =	ssyncset.done $0x0  }
0x12: {  	[sflag:s11] =	ssyncadd.s32 $0xFFFFEC00  }
0x13: {  	[tilespmem:s12], [sflag:$0x5] =	stream.linear.gather [hbm4b:s8+s4], $0x1400, $0x38;
	[tilespmem:$0x1CA00] =	vst v63  }
0x14: {  	_ =	swait.ge [sflag:s11], $0x1400  }
0x15: {  	[sflag:s11] =	ssyncset.done $0x0  }
0x16: {  	[sflag:s11] =	ssyncadd.s32 $0xFFFFEC00  }
0x17: {  	s2 =	simm.s32 $0x1C980;
	s0 =	rddreg [dreg:$0x2]  }
0x18: {  	[tilespmem:s2], [sflag:$0x5] =	stream.linear.gather [hbm4b:s0+s4], $0x80, $0x38;
	[tilespmem:$0x1CA00] =	vst v63  }
0x19: {  	_ =	swait.ge [sflag:s11], $0x80  }
0x1a: {  	[sflag:s11] =	ssyncset.done $0x0  }
0x1b: {  	[sflag:s11] =	ssyncadd.s32 $0xFFFFFF80  }
0x1c: {  	v16 =	vld [tilespmem:$0x1C980]  }
0x1d: {  	v17 =	vld [tilespmem:$0x1C990]  }
0x1e: {  	v18 =	vld [tilespmem:$0x1C9A0]  }
0x1f: {  	v19 =	vld [tilespmem:$0x1C9B0];
	_ =	sdelay $0x1  }
0x20: {  	v16 =	vadd.f32 v16, v16  }
0x21: {  	v17 =	vadd.f32 v17, v17  }
0x22: {  	[tilespmem:$0x1C980] =	vst v16;
	v16 =	vadd.f32 v18, v18  }
0x23: {  	[tilespmem:$0x1C990] =	vst v17;
	v17 =	vadd.f32 v19, v19  }
0x24: {  	[tilespmem:$0x1C9A0] =	vst v16  }
0x25: {  	[tilespmem:$0x1C9B0] =	vst v17  }
0x26: {  	[tilespmem:s15], [sflag:$0x1] =	stream.indirect.gather [hbm4b:s5+s14], $0x80, s4, s14, $0xb8;
	[tilespmem:$0x1CA00] =	vst v63  }
0x27: {  	s31 =	simm.s32 $0xA800;
	s28 =	simm.s32 $0x0  }
0x28: {  	[tilespmem:s31], [sflag:$0x3] =	stream.indirect.gather [hbm4b:s1+s14], $0x80, s12, s14, $0xb8;
	[tilespmem:$0x1CA00] =	vst v63  }
.LBB2_2:
0x29: {  	_ =	swait.ge [sflag:s17], $0x4000;
	s0 =	sshll.u32 s28, $0x8  }
0x2a: {  	[sflag:s17] =	ssyncset.done $0x0;
	s0 =	sand.u32 $0x3FFFFF00, s0  }
0x2b: {  	s29 =	sshllo.u32 s28, $0x1;
	[sflag:s17] =	ssyncadd.s32 $0xFFFFC000;
	s0 =	sadd.s32 $0x1400, s0  }
0x2c: {  	[tilespmem:s15], [sflag:$0x1] =	stream.indirect.gather.add.f32 [hbm:s6], $0x80, s0, s14, $0xb8;
	[tilespmem:$0x1CA00] =	vst v63  }
0x2d: {  	s16 =	sshll.u32 s29, $0x7  }
0x2e: {  	[tilespmem:s18], [sflag:$0x2] =	stream.indirect.gather [hbm4b:s5+s14], $0x80, s16, s14, $0xb8;
	[tilespmem:$0x1CA00] =	vst v63  }
0x2f: {  	s30 =	sadd.s32 $0x1400, s16  }
0x30: {  	[tilespmem:s19], [sflag:$0x4] =	stream.indirect.gather [hbm4b:s1+s14], $0x80, s30, s14, $0xb8;
	[tilespmem:$0x1CA00] =	vst v63  }
0x31: {  	_ =	swait.ge [sflag:s17], $0x4000  }
0x32: {  	[sflag:s17] =	ssyncset.done $0x0  }
0x33: {  	s25 =	sshll.u32 s28, $0xB;
	[sflag:s17] =	ssyncadd.s32 $0xFFFFC000  }
0x34: {  	s0 =	sand.u32 $0x3FFFF800, s25;
	_ =	swait.ge [sflag:s20], $0x4000  }
0x35: {  	s31 =	simm.s32 $0x0;
	s2 =	sadd.s32 $0x12800, s0;
	[sflag:s20] =	ssyncset.done $0x0  }
0x36: {  	s13 =	simm.s32 $0x2820;
	s0 =	simm.s32 $0xA840;
	v16 =	vmov s2;
	[sflag:s20] =	ssyncadd.s32 $0xFFFFC000  }
.LBB2_3:
0x37: {  	v17 =	vld [tilespmem:s13+$0xFFFFFFE0];
	s16 =	simm.s32 $0x40;
	s2 =	smov.u32 s13;
	s3 =	simm.s32 $0x0  }
.LBB2_4:
0x38: {  	p0 =	sne.s32 s16, $0x3C0  }
0x39: {  	v18 =	vld [tilespmem:s2+$0xFFFFFFF0];
	_ =	sdelay $0x1  }
0x3a: {  	v19 =	vld [tilespmem:s2+$0x0]  }
0x3b: {  	v17 =	vmul.f32 $1.442695020e+00, v17  }
0x3c: {  	v20 =	vld [tilespmem:s2+$0x10]  }
0x3d: {  	v18 =	vmul.f32 $1.442695020e+00, v18;
	(erf) = vpow2.f32 v17;
	_ =	sdelay $0x1  }
0x3e: {  	v17 =	vmul.f32 $1.442695020e+00, v19;
	(erf) = vpow2.f32 v18;
	_ =	sdelay $0x1  }
0x3f: {  	v18 =	vmul.f32 $1.442695020e+00, v20;
	(erf) = vpow2.f32 v17;
	_ =	sdelay $0x1  }
0x40: {  	(erf) = vpow2.f32 v18;
	_ =	sdelay $0x2  }
0x41: {  	v17 =	vpop (erf)  }
0x42: {  	v19 =	vadd.f32 $1.000000000e+00, v17  }
0x43: {  	v18 =	vpop (erf)  }
0x44: {  	v20 =	vadd.f32 $1.000000000e+00, v18;
	(erf) = vrcp.f32 v19  }
0x45: {  	v17 =	vpop (erf)  }
0x46: {  	v17 =	vadd.f32 $1.000000000e+00, v17;
	(erf) = vrcp.f32 v20  }
0x47: {  	v18 =	vpop (erf)  }
0x48: {  	v18 =	vadd.f32 $1.000000000e+00, v18;
	(erf) = vrcp.f32 v17  }
0x49: {  	v17 =	vld [tilespmem:$0x1C980]  }
0x4a: {  	(erf) = vrcp.f32 v18  }
0x4b: {  	v18 =	vld [tilespmem:$0x1C990];
	_ =	sdelay $0x1  }
0x4c: {  	v19 =	vld [tilespmem:$0x1C9A0];
	v20 =	vpop (erf)  }
0x4d: {  	v17 =	vmul.f32 v20, v17  }
0x4e: {  	v20 =	vld [tilespmem:$0x1C9B0];
	v21 =	vpop (erf)  }
0x4f: {  	v17 =	vadd.f32 $0.0e+00, v17;
	v18 =	vmul.f32 v21, v18  }
0x50: {  	v21 =	vpop (erf)  }
0x51: {  	v17 =	vadd.f32 v18, v17;
	v18 =	vmul.f32 v21, v19  }
0x52: {  	v19 =	vpop (erf)  }
0x53: {  	v17 =	vadd.f32 v18, v17;
	v18 =	vmul.f32 v19, v20  }
.Ltmp0:
0x54: {  	(pc) =	sbr.rel @p0 .LBB2_4-.Ltmp0, $4  }
0x55: {  	v17 =	vadd.f32 v18, v17  }
0x56: {  	s25 =	sshra.s32 s3, $0x2;
	s3 =	smov.u32 s16  }
0x57: {  	s2 =	sadd.s32 $0x80, s2;
	[tilespmem:s25+$0x1C800] =	vst v17  }
0x58: {  	s16 =	sadd.s32 $0x40, s16;
	v17 =	vld [tilespmem:s2+$0xFFFFFFE0]  }
0x59: {  	_ = 	snop  }
0x5a: {  	v18 =	vld [tilespmem:s2+$0xFFFFFFF0];
	_ =	sdelay $0x2  }
0x5b: {  	v19 =	vld [tilespmem:s2+$0x0];
	v17 =	vmul.f32 $1.442695020e+00, v17;
	_ =	sdelay $0x1  }
0x5c: {  	v20 =	vld [tilespmem:s2+$0x10];
	v18 =	vmul.f32 $1.442695020e+00, v18;
	(erf) = vpow2.f32 v17;
	_ =	sdelay $0x1  }
0x5d: {  	(erf) = vpow2.f32 v18  }
0x5e: {  	v17 =	vmul.f32 $1.442695020e+00, v19;
	_ =	sdelay $0x1  }
0x5f: {  	v18 =	vmul.f32 $1.442695020e+00, v20;
	(erf) = vpow2.f32 v17;
	_ =	sdelay $0x1  }
0x60: {  	(erf) = vpow2.f32 v18;
	_ =	sdelay $0x1  }
0x61: {  	v17 =	vpop (erf)  }
0x62: {  	v17 =	vadd.f32 $1.000000000e+00, v17  }
0x63: {  	v18 =	vpop (erf)  }
0x64: {  	v18 =	vadd.f32 $1.000000000e+00, v18  }
0x65: {  	(erf) = vrcp.f32 v17  }
0x66: {  	v17 =	vpop (erf)  }
0x67: {  	(erf) = vrcp.f32 v18;
	v17 =	vadd.f32 $1.000000000e+00, v17  }
0x68: {  	v18 =	vpop (erf)  }
0x69: {  	v18 =	vadd.f32 $1.000000000e+00, v18;
	(erf) = vrcp.f32 v17  }
0x6a: {  	v17 =	vld [tilespmem:$0x1C980]  }
0x6b: {  	(erf) = vrcp.f32 v18  }
0x6c: {  	v18 =	vld [tilespmem:$0x1C990];
	_ =	sdelay $0x1  }
0x6d: {  	v19 =	vld [tilespmem:$0x1C9A0];
	v20 =	vpop (erf)  }
0x6e: {  	v17 =	vmul.f32 v20, v17  }
0x6f: {  	v20 =	vld [tilespmem:$0x1C9B0];
	v21 =	vpop (erf)  }
0x70: {  	v18 =	vmul.f32 v21, v18;
	v17 =	vadd.f32 $0.0e+00, v17  }
0x71: {  	v21 =	vpop (erf)  }
0x72: {  	v17 =	vadd.f32 v18, v17;
	v18 =	vmul.f32 v21, v19  }
0x73: {  	v19 =	vpop (erf)  }
0x74: {  	v17 =	vadd.f32 v18, v17;
	v18 =	vmul.f32 v19, v20;
	_ =	sdelay $0x1  }
0x75: {  	v17 =	vadd.f32 v18, v17  }
0x76: {  	s25 =	sshra.s32 s3, $0x2  }
0x77: {  	[tilespmem:s25+$0x1C800] =	vst v17  }
0x78: {  	v17 =	vld.idx.msk [tilespmem:v0+s21+$0x0], $0xffff;
	_ =	sdelay $0x1  }
0x79: {  	v18 =	vld.idx.msk [tilespmem:v1+s21+$0x0], $0xffff;
	_ =	sdelay $0x1  }
0x7a: {  	v19 =	vld.idx.msk [tilespmem:v2+s21+$0x0], $0xffff  }
0x7b: {  	v17 =	vadd.f32 $0.0e+00, v17  }
0x7c: {  	v20 =	vld.idx.msk [tilespmem:v3+s21+$0x0], $0xffff  }
0x7d: {  	v17 =	vadd.f32 v18, v17  }
0x7e: {  	v18 =	vld.idx.msk [tilespmem:v4+s21+$0x0], $0xffff  }
0x7f: {  	v17 =	vadd.f32 v19, v17  }
0x80: {  	v19 =	vld.idx.msk [tilespmem:v5+s21+$0x0], $0xffff  }
0x81: {  	v17 =	vadd.f32 v20, v17  }
0x82: {  	v20 =	vld.idx.msk [tilespmem:v6+s21+$0x0], $0xffff  }
0x83: {  	v17 =	vadd.f32 v18, v17  }
0x84: {  	v18 =	vld.idx.msk [tilespmem:v7+s21+$0x0], $0xffff  }
0x85: {  	v17 =	vadd.f32 v19, v17  }
0x86: {  	v19 =	vld.idx.msk [tilespmem:v8+s21+$0x0], $0xffff  }
0x87: {  	v17 =	vadd.f32 v20, v17  }
0x88: {  	v20 =	vld.idx.msk [tilespmem:v9+s21+$0x0], $0xffff  }
0x89: {  	v17 =	vadd.f32 v18, v17  }
0x8a: {  	v18 =	vld.idx.msk [tilespmem:v10+s21+$0x0], $0xffff  }
0x8b: {  	v17 =	vadd.f32 v19, v17  }
0x8c: {  	v19 =	vld.idx.msk [tilespmem:v11+s21+$0x0], $0xffff  }
0x8d: {  	v17 =	vadd.f32 v20, v17  }
0x8e: {  	v20 =	vld.idx.msk [tilespmem:v12+s21+$0x0], $0xffff  }
0x8f: {  	v17 =	vadd.f32 v18, v17  }
0x90: {  	v18 =	vld.idx.msk [tilespmem:v13+s21+$0x0], $0xffff  }
0x91: {  	v17 =	vadd.f32 v19, v17  }
0x92: {  	v19 =	vld.idx.msk [tilespmem:v14+s21+$0x0], $0xffff  }
0x93: {  	v17 =	vadd.f32 v20, v17  }
0x94: {  	v20 =	vld.idx.msk [tilespmem:v15+s21+$0x0], $0xffff  }
0x95: {  	v17 =	vadd.f32 v18, v17;
	_ =	sdelay $0x1  }
0x96: {  	v17 =	vadd.f32 v19, v17;
	_ =	sdelay $0x1  }
0x97: {  	v17 =	vadd.f32 v20, v17;
	_ =	sdelay $0x1  }
0x98: {  	(xrf0) =	vmax.scan.msk.f32 $0xffff, v17;
	_ =	sdelay $0x5  }
0x99: {  	v18, _, _ =	vpop (xrf0)  }
0x9a: {  	v18 =	vbroadcast v18, $0xF;
	_ =	sdelay $0x1  }
0x9b: {  	v17 =	vsub.f32 v17, v18;
	_ =	sdelay $0x1  }
0x9c: {  	v17 =	vmul.f32 $1.442695020e+00, v17;
	_ =	sdelay $0x1  }
0x9d: {  	(erf) = vpow2.f32 v17;
	_ =	sdelay $0x8  }
0x9e: {  	v17 =	vpop (erf)  }
0x9f: {  	(xrf2) =	vadd.scan.msk.f32 $0xffff, v17;
	_ =	sdelay $0x9  }
0xa0: {  	v18, _, _ =	vpop (xrf2)  }
0xa1: {  	v18 =	vbroadcast v18, $0xF;
	_ =	sdelay $0x1  }
0xa2: {  	(erf) = vrcp.f32 v18;
	_ =	sdelay $0x6  }
0xa3: {  	s3 =	simm.s32 $0x0  }
0xa4: {  	v18 =	vmov s3  }
0xa5: {  	v19 =	vpop (erf)  }
0xa6: {  	v17 =	vmul.f32 v19, v17;
	_ =	sdelay $0x1  }
0xa7: {  	[tilespmem:$0x1C900] =	vst v17  }
0xa8: {  	v25 =	vld.idx.msk [tilespmem:v18+s22+$0x0], $0xffff  }
0xa9: {  	v17 =	vld [tilespmem:s0+$0x30]  }
0xaa: {  	v18 =	vld [tilespmem:s0+$0xFFFFFFC0]  }
0xab: {  	v19 =	vld [tilespmem:s0+$0xFFFFFFD0]  }
0xac: {  	s16 =	simm.s32 $0x1;
	v21 =	vld [tilespmem:s0+$0xFFFFFFE0]  }
0xad: {  	v20 =	vmov s16;
	v22 =	vld [tilespmem:s0+$0xFFFFFFF0]  }
0xae: {  	v24 =	vld [tilespmem:s0+$0x0]  }
0xaf: {  	v29 =	vld [tilespmem:s0+$0x10]  }
0xb0: {  	v32 =	vld [tilespmem:s0+$0x20]  }
0xb1: {  	v23 =	vimm.f32 $0.0e+00;
	s25 =	simm.s32 $0x2;
	v26 =	vmul.f32 v17, v25  }
0xb2: {  	s2 =	sadd.s32 $0x80, s0;
	v30 =	vmov s25;
	v27 =	vmul.f32 v18, v25;
	v28 =	vmul.f32 v19, v25;
	v17 =	vld.idx.msk [tilespmem:v20+s22+$0x0], $0xffff  }
0xb3: {  	v21 =	vmul.f32 v21, v25;
	v22 =	vmul.f32 v22, v25;
	v18 =	vadd.f32 v26, v23;
	v26 =	vld [tilespmem:s2+$0x30]  }
0xb4: {  	v24 =	vmul.f32 v24, v25;
	v31 =	vmul.f32 v29, v25;
	v19 =	vadd.f32 v27, v23;
	v27 =	vld [tilespmem:s2+$0xFFFFFFC0]  }
0xb5: {  	v32 =	vmul.f32 v32, v25;
	v20 =	vadd.f32 v28, v23;
	v21 =	vadd.f32 v21, v23;
	v28 =	vld [tilespmem:s2+$0xFFFFFFD0]  }
0xb6: {  	s3 =	simm.s32 $0x3;
	v29 =	vld [tilespmem:s2+$0xFFFFFFE0];
	v25 =	vimm.f32 $0.0e+00;
	v22 =	vadd.f32 v22, v23;
	v24 =	vadd.f32 v24, v23  }
.LBB2_6:
0xb7: {  	p0 =	sne.s32 s3, $0xF;
	v33 =	vld [tilespmem:s2+$0xFFFFFFF0];
	v23 =	vadd.f32 v31, v23  }
0xb8: {  	v31 =	vld [tilespmem:s2+$0x0];
	v26 =	vmul.f32 v26, v17;
	v25 =	vadd.f32 v32, v25;
	v32 =	vmov v17  }
0xb9: {  	v27 =	vmul.f32 v27, v32;
	v34 =	vld [tilespmem:s2+$0x10]  }
0xba: {  	v28 =	vmul.f32 v28, v32;
	v35 =	vld [tilespmem:s2+$0x20];
	v18 =	vadd.f32 v26, v18  }
.Ltmp1:
0xbb: {  	s2 =	sadd.s32 $0x80, s2;
	v17 =	vld.idx.msk [tilespmem:v30+s22+$0x0], $0xffff;
	v19 =	vadd.f32 v27, v19;
	v29 =	vmul.f32 v29, v32;
	(pc) =	sbr.rel @p0 .LBB2_6-.Ltmp1, $4  }
0xbc: {  	v26 =	vld [tilespmem:s2+$0x30];
	v20 =	vadd.f32 v28, v20;
	v30 =	vmul.f32 v33, v32  }
0xbd: {  	v27 =	vld [tilespmem:s2+$0xFFFFFFC0];
	v21 =	vadd.f32 v29, v21;
	v33 =	vmul.f32 v31, v32  }
0xbe: {  	v28 =	vld [tilespmem:s2+$0xFFFFFFD0];
	v22 =	vadd.f32 v30, v22;
	v31 =	vmul.f32 v34, v32  }
0xbf: {  	v30 =	vmov s3;
	s3 =	sadd.s32 $0x1, s3;
	v29 =	vld [tilespmem:s2+$0xFFFFFFE0];
	v24 =	vadd.f32 v33, v24;
	v32 =	vmul.f32 v35, v32  }
0xc0: {  	v33 =	vld [tilespmem:s2+$0xFFFFFFF0]  }
0xc1: {  	v34 =	vld [tilespmem:s2+$0x0]  }
0xc2: {  	v35 =	vld [tilespmem:s2+$0x10]  }
0xc3: {  	v36 =	vld [tilespmem:s2+$0x20]  }
0xc4: {  	v30 =	vld.idx.msk [tilespmem:v30+s22+$0x0], $0xffff;
	s16 =	sadd.s32 $0x80, s2  }
0xc5: {  	v37 =	vld [tilespmem:s16+$0xFFFFFFC0]  }
0xc6: {  	v46 =	vld [tilespmem:s16+$0xFFFFFFD0]  }
0xc7: {  	v47 =	vld [tilespmem:s16+$0xFFFFFFE0]  }
0xc8: {  	v49 =	vld [tilespmem:s16+$0xFFFFFFF0]  }
0xc9: {  	v23 =	vadd.f32 v31, v23;
	v26 =	vmul.f32 v26, v17;
	v51 =	vld [tilespmem:s16+$0x0];
	v27 =	vmul.f32 v27, v17  }
0xca: {  	v25 =	vadd.f32 v32, v25;
	v54 =	vld [tilespmem:s16+$0x10];
	v28 =	vmul.f32 v28, v17;
	v29 =	vmul.f32 v29, v17  }
0xcb: {  	v56 =	vld [tilespmem:s16+$0x20];
	v18 =	vadd.f32 v26, v18;
	v48 =	vmul.f32 v33, v17;
	v50 =	vmul.f32 v34, v17  }
0xcc: {  	v19 =	vadd.f32 v27, v19;
	v52 =	vmul.f32 v35, v17;
	v17 =	vmul.f32 v36, v17  }
0xcd: {  	v20 =	vadd.f32 v28, v20;
	v53 =	vmul.f32 v37, v30;
	v55 =	vmul.f32 v46, v30  }
0xce: {  	v21 =	vadd.f32 v29, v21;
	v32 =	vmul.f32 v47, v30;
	v58 =	vmul.f32 v49, v30  }
0xcf: {  	s25 =	sshll.u32 s31, $0x7;
	v57 =	vld [tilespmem:s16+$0x30];
	v59 =	vmul.f32 v51, v30;
	v60 =	vmul.f32 v54, v30;
	v19 =	vadd.f32 v53, v19  }
0xd0: {  	s2 =	sand.u32 $0x3FFFFF80, s25;
	v62 =	vmul.f32 v56, v30;
	v22 =	vadd.f32 v48, v22;
	v20 =	vadd.f32 v55, v20  }
0xd1: {  	v24 =	vadd.f32 v50, v24;
	v21 =	vadd.f32 v32, v21;
	[tilespmem:v16+s2+$0x0 ss:$0x1] =	vst.idx.msk $0xffff, v19  }
0xd2: {  	s31 =	sadd.s32 $0x1, s31;
	v23 =	vadd.f32 v52, v23;
	v19 =	vadd.f32 v58, v22;
	[tilespmem:v16+s2+$0x10 ss:$0x1] =	vst.idx.msk $0xffff, v20  }
0xd3: {  	p0 =	sne.s32 s31, $0x8;
	v17 =	vadd.f32 v17, v25;
	v61 =	vadd.f32 v59, v24;
	[tilespmem:v16+s2+$0x20 ss:$0x1] =	vst.idx.msk $0xffff, v21  }
.Ltmp2:
0xd4: {  	v63 =	vmul.f32 v57, v30;
	v22 =	vadd.f32 v60, v23;
	[tilespmem:v16+s2+$0x30 ss:$0x1] =	vst.idx.msk $0xffff, v19;
	(pc) =	sbr.rel @p0 .LBB2_3-.Ltmp2, $4  }
0xd5: {  	v17 =	vadd.f32 v62, v17;
	[tilespmem:v16+s2+$0x40 ss:$0x1] =	vst.idx.msk $0xffff, v61  }
0xd6: {  	v18 =	vadd.f32 v63, v18;
	[tilespmem:v16+s2+$0x50 ss:$0x1] =	vst.idx.msk $0xffff, v22  }
0xd7: {  	[tilespmem:v16+s2+$0x60 ss:$0x1] =	vst.idx.msk $0xffff, v17  }
0xd8: {  	s13 =	sadd.s32 $0x800, s13;
	s0 =	sadd.s32 $0x800, s0;
	[tilespmem:v16+s2+$0x70 ss:$0x1] =	vst.idx.msk $0xffff, v18  }
0xd9: {  	_ =	swait.ge [sflag:s23], $0x4000  }
0xda: {  	p0 =	seq.s32 s28, $0x13;
	[sflag:s23] =	ssyncset.done $0x0  }
0xdb: {  	s0 =	sshll.u32 @!p0 s28, $0x8;
	[sflag:s23] =	ssyncadd.s32 $0xFFFFC000  }
0xdc: {  	[tilespmem:s18], [sflag:$0x2] =	stream.indirect.gather.add.f32 [hbm:s6], $0x80, s30, s14, $0xb8;
	[tilespmem:$0x1CA00] =	vst v63  }
0xdd: {  	s3 =	simm.s32 @!p0 $0x80;
	s13 =	simm.s32 @!p0 $0x2800;
	s2 =	sadd.s32 @!p0 $0x100, s0  }
0xde: {  	[tilespmem:s13], [sflag:$0x1] =	stream.indirect.gather @!p0 [hbm4b:s5+s3], $0x80, s2, s3, $0xb8;
	[tilespmem:$0x1CA00] =	vst v63  }
0xdf: {  	s0 =	sadd.s32 @!p0 $0x1500, s0;
	s2 =	simm.s32 @!p0 $0xA800  }
0xe0: {  	[tilespmem:s2], [sflag:$0x3] =	stream.indirect.gather @!p0 [hbm4b:s1+s3], $0x80, s0, s3, $0xb8;
	[tilespmem:$0x1CA00] =	vst v63  }
0xe1: {  	_ =	swait.ge [sflag:s23], $0x4000  }
0xe2: {  	[sflag:s23] =	ssyncset.done $0x0  }
0xe3: {  	s30 =	sshll.u32 s29, $0xA;
	[sflag:s23] =	ssyncadd.s32 $0xFFFFC000  }
0xe4: {  	s0 =	sand.u32 $0x3FFFFC00, s30;
	_ =	swait.ge [sflag:s24], $0x4000  }
0xe5: {  	s29 =	simm.s32 $0x0;
	s31 =	sadd.s32 $0x12800, s0;
	[sflag:s24] =	ssyncset.done $0x0  }
0xe6: {  	s2 =	simm.s32 $0x6820;
	s0 =	simm.s32 $0xE840;
	v16 =	vmov s31;
	[sflag:s24] =	ssyncadd.s32 $0xFFFFC000  }
.LBB2_9:
0xe7: {  	v17 =	vld [tilespmem:s2+$0xFFFFFFE0];
	s16 =	simm.s32 $0x40;
	s13 =	smov.u32 s2;
	s3 =	simm.s32 $0x0  }
.LBB2_10:
0xe8: {  	p0 =	sne.s32 s16, $0x3C0  }
0xe9: {  	v18 =	vld [tilespmem:s13+$0xFFFFFFF0];
	_ =	sdelay $0x1  }
0xea: {  	v19 =	vld [tilespmem:s13+$0x0]  }
0xeb: {  	v17 =	vmul.f32 $1.442695020e+00, v17  }
0xec: {  	v20 =	vld [tilespmem:s13+$0x10]  }
0xed: {  	v18 =	vmul.f32 $1.442695020e+00, v18;
	(erf) = vpow2.f32 v17;
	_ =	sdelay $0x1  }
0xee: {  	v17 =	vmul.f32 $1.442695020e+00, v19;
	(erf) = vpow2.f32 v18;
	_ =	sdelay $0x1  }
0xef: {  	v18 =	vmul.f32 $1.442695020e+00, v20;
	(erf) = vpow2.f32 v17;
	_ =	sdelay $0x1  }
0xf0: {  	(erf) = vpow2.f32 v18;
	_ =	sdelay $0x2  }
0xf1: {  	v17 =	vpop (erf)  }
0xf2: {  	v19 =	vadd.f32 $1.000000000e+00, v17  }
0xf3: {  	v18 =	vpop (erf)  }
0xf4: {  	v20 =	vadd.f32 $1.000000000e+00, v18;
	(erf) = vrcp.f32 v19  }
0xf5: {  	v17 =	vpop (erf)  }
0xf6: {  	v17 =	vadd.f32 $1.000000000e+00, v17;
	(erf) = vrcp.f32 v20  }
0xf7: {  	v18 =	vpop (erf)  }
0xf8: {  	v18 =	vadd.f32 $1.000000000e+00, v18;
	(erf) = vrcp.f32 v17  }
0xf9: {  	v17 =	vld [tilespmem:$0x1C980]  }
0xfa: {  	(erf) = vrcp.f32 v18  }
0xfb: {  	v18 =	vld [tilespmem:$0x1C990];
	_ =	sdelay $0x1  }
0xfc: {  	v19 =	vld [tilespmem:$0x1C9A0];
	v20 =	vpop (erf)  }
0xfd: {  	v17 =	vmul.f32 v20, v17  }
0xfe: {  	v20 =	vld [tilespmem:$0x1C9B0];
	v21 =	vpop (erf)  }
0xff: {  	v17 =	vadd.f32 $0.0e+00, v17;
	v18 =	vmul.f32 v21, v18  }
0x100: {  	v21 =	vpop (erf)  }
0x101: {  	v17 =	vadd.f32 v18, v17;
	v18 =	vmul.f32 v21, v19  }
0x102: {  	v19 =	vpop (erf)  }
0x103: {  	v17 =	vadd.f32 v18, v17;
	v18 =	vmul.f32 v19, v20  }
.Ltmp3:
0x104: {  	(pc) =	sbr.rel @p0 .LBB2_10-.Ltmp3, $4  }
0x105: {  	v17 =	vadd.f32 v18, v17  }
0x106: {  	s25 =	sshra.s32 s3, $0x2;
	s3 =	smov.u32 s16  }
0x107: {  	s13 =	sadd.s32 $0x80, s13;
	[tilespmem:s25+$0x1C800] =	vst v17  }
0x108: {  	s16 =	sadd.s32 $0x40, s16;
	v17 =	vld [tilespmem:s13+$0xFFFFFFE0]  }
0x109: {  	_ = 	snop  }
0x10a: {  	v18 =	vld [tilespmem:s13+$0xFFFFFFF0];
	_ =	sdelay $0x2  }
0x10b: {  	v19 =	vld [tilespmem:s13+$0x0];
	v17 =	vmul.f32 $1.442695020e+00, v17;
	_ =	sdelay $0x1  }
0x10c: {  	v20 =	vld [tilespmem:s13+$0x10];
	v18 =	vmul.f32 $1.442695020e+00, v18;
	(erf) = vpow2.f32 v17;
	_ =	sdelay $0x1  }
0x10d: {  	(erf) = vpow2.f32 v18  }
0x10e: {  	v17 =	vmul.f32 $1.442695020e+00, v19;
	_ =	sdelay $0x1  }
0x10f: {  	v18 =	vmul.f32 $1.442695020e+00, v20;
	(erf) = vpow2.f32 v17;
	_ =	sdelay $0x1  }
0x110: {  	(erf) = vpow2.f32 v18;
	_ =	sdelay $0x1  }
0x111: {  	v17 =	vpop (erf)  }
0x112: {  	v17 =	vadd.f32 $1.000000000e+00, v17  }
0x113: {  	v18 =	vpop (erf)  }
0x114: {  	v18 =	vadd.f32 $1.000000000e+00, v18  }
0x115: {  	(erf) = vrcp.f32 v17  }
0x116: {  	v17 =	vpop (erf)  }
0x117: {  	(erf) = vrcp.f32 v18;
	v17 =	vadd.f32 $1.000000000e+00, v17  }
0x118: {  	v18 =	vpop (erf)  }
0x119: {  	v18 =	vadd.f32 $1.000000000e+00, v18;
	(erf) = vrcp.f32 v17  }
0x11a: {  	v17 =	vld [tilespmem:$0x1C980]  }
0x11b: {  	(erf) = vrcp.f32 v18  }
0x11c: {  	v18 =	vld [tilespmem:$0x1C990];
	_ =	sdelay $0x1  }
0x11d: {  	v19 =	vld [tilespmem:$0x1C9A0];
	v20 =	vpop (erf)  }
0x11e: {  	v17 =	vmul.f32 v20, v17  }
0x11f: {  	v20 =	vld [tilespmem:$0x1C9B0];
	v21 =	vpop (erf)  }
0x120: {  	v18 =	vmul.f32 v21, v18;
	v17 =	vadd.f32 $0.0e+00, v17  }
0x121: {  	v21 =	vpop (erf)  }
0x122: {  	v17 =	vadd.f32 v18, v17;
	v18 =	vmul.f32 v21, v19  }
0x123: {  	v19 =	vpop (erf)  }
0x124: {  	v17 =	vadd.f32 v18, v17;
	v18 =	vmul.f32 v19, v20;
	_ =	sdelay $0x1  }
0x125: {  	v17 =	vadd.f32 v18, v17  }
0x126: {  	s3 =	sshra.s32 s3, $0x2  }
0x127: {  	[tilespmem:s3+$0x1C800] =	vst v17  }
0x128: {  	v17 =	vld.idx.msk [tilespmem:v0+s21+$0x0], $0xffff;
	_ =	sdelay $0x1  }
0x129: {  	v18 =	vld.idx.msk [tilespmem:v1+s21+$0x0], $0xffff;
	_ =	sdelay $0x1  }
0x12a: {  	v19 =	vld.idx.msk [tilespmem:v2+s21+$0x0], $0xffff  }
0x12b: {  	v17 =	vadd.f32 $0.0e+00, v17  }
0x12c: {  	v20 =	vld.idx.msk [tilespmem:v3+s21+$0x0], $0xffff  }
0x12d: {  	v17 =	vadd.f32 v18, v17  }
0x12e: {  	v18 =	vld.idx.msk [tilespmem:v4+s21+$0x0], $0xffff  }
0x12f: {  	v17 =	vadd.f32 v19, v17  }
0x130: {  	v19 =	vld.idx.msk [tilespmem:v5+s21+$0x0], $0xffff  }
0x131: {  	v17 =	vadd.f32 v20, v17  }
0x132: {  	v20 =	vld.idx.msk [tilespmem:v6+s21+$0x0], $0xffff  }
0x133: {  	v17 =	vadd.f32 v18, v17  }
0x134: {  	v18 =	vld.idx.msk [tilespmem:v7+s21+$0x0], $0xffff  }
0x135: {  	v17 =	vadd.f32 v19, v17  }
0x136: {  	v19 =	vld.idx.msk [tilespmem:v8+s21+$0x0], $0xffff  }
0x137: {  	v17 =	vadd.f32 v20, v17  }
0x138: {  	v20 =	vld.idx.msk [tilespmem:v9+s21+$0x0], $0xffff  }
0x139: {  	v17 =	vadd.f32 v18, v17  }
0x13a: {  	v18 =	vld.idx.msk [tilespmem:v10+s21+$0x0], $0xffff  }
0x13b: {  	v17 =	vadd.f32 v19, v17  }
0x13c: {  	v19 =	vld.idx.msk [tilespmem:v11+s21+$0x0], $0xffff  }
0x13d: {  	v17 =	vadd.f32 v20, v17  }
0x13e: {  	v20 =	vld.idx.msk [tilespmem:v12+s21+$0x0], $0xffff  }
0x13f: {  	v17 =	vadd.f32 v18, v17  }
0x140: {  	v18 =	vld.idx.msk [tilespmem:v13+s21+$0x0], $0xffff  }
0x141: {  	v17 =	vadd.f32 v19, v17  }
0x142: {  	v19 =	vld.idx.msk [tilespmem:v14+s21+$0x0], $0xffff  }
0x143: {  	v17 =	vadd.f32 v20, v17  }
0x144: {  	v20 =	vld.idx.msk [tilespmem:v15+s21+$0x0], $0xffff  }
0x145: {  	v17 =	vadd.f32 v18, v17;
	_ =	sdelay $0x1  }
0x146: {  	v17 =	vadd.f32 v19, v17;
	_ =	sdelay $0x1  }
0x147: {  	v17 =	vadd.f32 v20, v17;
	_ =	sdelay $0x1  }
0x148: {  	(xrf0) =	vmax.scan.msk.f32 $0xffff, v17;
	_ =	sdelay $0x5  }
0x149: {  	v18, _, _ =	vpop (xrf0)  }
0x14a: {  	v18 =	vbroadcast v18, $0xF;
	_ =	sdelay $0x1  }
0x14b: {  	v17 =	vsub.f32 v17, v18;
	_ =	sdelay $0x1  }
0x14c: {  	v17 =	vmul.f32 $1.442695020e+00, v17;
	_ =	sdelay $0x1  }
0x14d: {  	(erf) = vpow2.f32 v17;
	_ =	sdelay $0x8  }
0x14e: {  	v17 =	vpop (erf)  }
0x14f: {  	(xrf2) =	vadd.scan.msk.f32 $0xffff, v17;
	_ =	sdelay $0x9  }
0x150: {  	v18, _, _ =	vpop (xrf2)  }
0x151: {  	v18 =	vbroadcast v18, $0xF;
	_ =	sdelay $0x1  }
0x152: {  	(erf) = vrcp.f32 v18;
	_ =	sdelay $0x6  }
0x153: {  	s25 =	simm.s32 $0x0  }
0x154: {  	v18 =	vmov s25  }
0x155: {  	v19 =	vpop (erf)  }
0x156: {  	v17 =	vmul.f32 v19, v17;
	_ =	sdelay $0x1  }
0x157: {  	[tilespmem:$0x1C900] =	vst v17  }
0x158: {  	v25 =	vld.idx.msk [tilespmem:v18+s22+$0x0], $0xffff  }
0x159: {  	v17 =	vld [tilespmem:s0+$0x30]  }
0x15a: {  	v18 =	vld [tilespmem:s0+$0xFFFFFFC0]  }
0x15b: {  	v19 =	vld [tilespmem:s0+$0xFFFFFFD0]  }
0x15c: {  	s30 =	simm.s32 $0x1;
	v21 =	vld [tilespmem:s0+$0xFFFFFFE0]  }
0x15d: {  	v20 =	vmov s30;
	v22 =	vld [tilespmem:s0+$0xFFFFFFF0]  }
0x15e: {  	v24 =	vld [tilespmem:s0+$0x0]  }
0x15f: {  	v29 =	vld [tilespmem:s0+$0x10]  }
0x160: {  	v32 =	vld [tilespmem:s0+$0x20]  }
0x161: {  	v23 =	vimm.f32 $0.0e+00;
	s31 =	simm.s32 $0x2;
	v26 =	vmul.f32 v17, v25  }
0x162: {  	v30 =	vmov s31;
	s3 =	sadd.s32 $0x80, s0;
	v27 =	vmul.f32 v18, v25;
	v28 =	vmul.f32 v19, v25;
	v17 =	vld.idx.msk [tilespmem:v20+s22+$0x0], $0xffff  }
0x163: {  	v21 =	vmul.f32 v21, v25;
	v22 =	vmul.f32 v22, v25;
	v18 =	vadd.f32 v26, v23;
	v26 =	vld [tilespmem:s3+$0x30]  }
0x164: {  	v24 =	vmul.f32 v24, v25;
	v31 =	vmul.f32 v29, v25;
	v19 =	vadd.f32 v27, v23;
	v27 =	vld [tilespmem:s3+$0xFFFFFFC0]  }
0x165: {  	v32 =	vmul.f32 v32, v25;
	v20 =	vadd.f32 v28, v23;
	v21 =	vadd.f32 v21, v23;
	v28 =	vld [tilespmem:s3+$0xFFFFFFD0]  }
0x166: {  	s13 =	simm.s32 $0x3;
	v29 =	vld [tilespmem:s3+$0xFFFFFFE0];
	v25 =	vimm.f32 $0.0e+00;
	v22 =	vadd.f32 v22, v23;
	v24 =	vadd.f32 v24, v23  }
.LBB2_12:
0x167: {  	p0 =	sne.s32 s13, $0xF;
	v33 =	vld [tilespmem:s3+$0xFFFFFFF0];
	v23 =	vadd.f32 v31, v23  }
0x168: {  	v31 =	vld [tilespmem:s3+$0x0];
	v26 =	vmul.f32 v26, v17;
	v25 =	vadd.f32 v32, v25;
	v32 =	vmov v17  }
0x169: {  	v27 =	vmul.f32 v27, v32;
	v34 =	vld [tilespmem:s3+$0x10]  }
0x16a: {  	v28 =	vmul.f32 v28, v32;
	v35 =	vld [tilespmem:s3+$0x20];
	v18 =	vadd.f32 v26, v18  }
.Ltmp4:
0x16b: {  	s3 =	sadd.s32 $0x80, s3;
	v17 =	vld.idx.msk [tilespmem:v30+s22+$0x0], $0xffff;
	v19 =	vadd.f32 v27, v19;
	v29 =	vmul.f32 v29, v32;
	(pc) =	sbr.rel @p0 .LBB2_12-.Ltmp4, $4  }
0x16c: {  	v26 =	vld [tilespmem:s3+$0x30];
	v20 =	vadd.f32 v28, v20;
	v30 =	vmul.f32 v33, v32  }
0x16d: {  	v27 =	vld [tilespmem:s3+$0xFFFFFFC0];
	v21 =	vadd.f32 v29, v21;
	v33 =	vmul.f32 v31, v32  }
0x16e: {  	v28 =	vld [tilespmem:s3+$0xFFFFFFD0];
	v22 =	vadd.f32 v30, v22;
	v31 =	vmul.f32 v34, v32  }
0x16f: {  	v30 =	vmov s13;
	s13 =	sadd.s32 $0x1, s13;
	v29 =	vld [tilespmem:s3+$0xFFFFFFE0];
	v24 =	vadd.f32 v33, v24;
	v32 =	vmul.f32 v35, v32  }
0x170: {  	v33 =	vld [tilespmem:s3+$0xFFFFFFF0]  }
0x171: {  	v34 =	vld [tilespmem:s3+$0x0]  }
0x172: {  	v35 =	vld [tilespmem:s3+$0x10]  }
0x173: {  	v36 =	vld [tilespmem:s3+$0x20]  }
0x174: {  	v30 =	vld.idx.msk [tilespmem:v30+s22+$0x0], $0xffff;
	s30 =	sadd.s32 $0x80, s3  }
0x175: {  	v37 =	vld [tilespmem:s30+$0xFFFFFFC0]  }
0x176: {  	v46 =	vld [tilespmem:s30+$0xFFFFFFD0]  }
0x177: {  	v47 =	vld [tilespmem:s30+$0xFFFFFFE0]  }
0x178: {  	v49 =	vld [tilespmem:s30+$0xFFFFFFF0]  }
0x179: {  	v23 =	vadd.f32 v31, v23;
	v26 =	vmul.f32 v26, v17;
	v51 =	vld [tilespmem:s30+$0x0];
	v27 =	vmul.f32 v27, v17  }
0x17a: {  	v25 =	vadd.f32 v32, v25;
	v54 =	vld [tilespmem:s30+$0x10];
	v28 =	vmul.f32 v28, v17;
	v29 =	vmul.f32 v29, v17  }
0x17b: {  	v56 =	vld [tilespmem:s30+$0x20];
	v18 =	vadd.f32 v26, v18;
	v48 =	vmul.f32 v33, v17;
	v50 =	vmul.f32 v34, v17  }
0x17c: {  	v19 =	vadd.f32 v27, v19;
	v52 =	vmul.f32 v35, v17;
	v17 =	vmul.f32 v36, v17  }
0x17d: {  	v20 =	vadd.f32 v28, v20;
	v53 =	vmul.f32 v37, v30;
	v55 =	vmul.f32 v46, v30  }
0x17e: {  	v21 =	vadd.f32 v29, v21;
	v32 =	vmul.f32 v47, v30;
	v58 =	vmul.f32 v49, v30  }
0x17f: {  	s31 =	sshll.u32 s29, $0x7;
	v57 =	vld [tilespmem:s30+$0x30];
	v59 =	vmul.f32 v51, v30;
	v60 =	vmul.f32 v54, v30;
	v19 =	vadd.f32 v53, v19  }
0x180: {  	s3 =	sand.u32 $0x3FFFFF80, s31;
	v62 =	vmul.f32 v56, v30;
	v22 =	vadd.f32 v48, v22;
	v20 =	vadd.f32 v55, v20  }
0x181: {  	v24 =	vadd.f32 v50, v24;
	v21 =	vadd.f32 v32, v21;
	[tilespmem:v16+s3+$0x0 ss:$0x1] =	vst.idx.msk $0xffff, v19  }
0x182: {  	s29 =	sadd.s32 $0x1, s29;
	v23 =	vadd.f32 v52, v23;
	v19 =	vadd.f32 v58, v22;
	[tilespmem:v16+s3+$0x10 ss:$0x1] =	vst.idx.msk $0xffff, v20  }
0x183: {  	p0 =	sne.s32 s29, $0x8;
	v17 =	vadd.f32 v17, v25;
	v61 =	vadd.f32 v59, v24;
	[tilespmem:v16+s3+$0x20 ss:$0x1] =	vst.idx.msk $0xffff, v21  }
.Ltmp5:
0x184: {  	v63 =	vmul.f32 v57, v30;
	v22 =	vadd.f32 v60, v23;
	[tilespmem:v16+s3+$0x30 ss:$0x1] =	vst.idx.msk $0xffff, v19;
	(pc) =	sbr.rel @p0 .LBB2_9-.Ltmp5, $4  }
0x185: {  	v17 =	vadd.f32 v62, v17;
	[tilespmem:v16+s3+$0x40 ss:$0x1] =	vst.idx.msk $0xffff, v61  }
0x186: {  	v18 =	vadd.f32 v63, v18;
	[tilespmem:v16+s3+$0x50 ss:$0x1] =	vst.idx.msk $0xffff, v22  }
0x187: {  	[tilespmem:v16+s3+$0x60 ss:$0x1] =	vst.idx.msk $0xffff, v17  }
0x188: {  	s2 =	sadd.s32 $0x800, s2;
	s0 =	sadd.s32 $0x800, s0;
	[tilespmem:v16+s3+$0x70 ss:$0x1] =	vst.idx.msk $0xffff, v18  }
0x189: {  	s28 =	sadd.s32 $0x1, s28  }
0x18a: {  	p0 =	sne.s32 s28, $0x14  }
.Ltmp6:
0x18b: {  	_ = 	snop;
	(pc) =	sbr.rel @p0 .LBB2_2-.Ltmp6, $1  }
0x18c: {  	_ =	sdelay $0x3  }
0x18d: {  	s26 =	sadd.s32 $0x1, s26  }
0x18e: {  	p0 =	sne.s32 s26, s10  }
.Ltmp7:
0x18f: {  	s0 =	simm.s32 $0x12800;
	(pc) =	sbr.rel @p0 .LBB2_1-.Ltmp7, $4  }
0x190: {  	[hbm4b:s9+s4] =	stream.linear.scatter [tilespmem:s0], [sflag:$0x5], $0xA000, $0x38;
	[tilespmem:$0x1CA00] =	vst v63  }
0x191: {  	_ =	swait.ge [sflag:s11], $0xA000  }
0x192: {  	[sflag:s11] =	ssyncset.done $0x0  }
0x193: {  	[sflag:s11] =	ssyncadd.s32 $0xFFFF6000  }
0x194: {  	_ =	sfence.sel $0x180000  }
0x195: {  	[bflag:$0x0] =	sbarrier.arrive $0xFFFF  }
0x196: {  	_ =	strace $0x90000047  }
0x197: {  	s0 =	stileid.u32;
	[bflag:$0x2] =	sbarrier.arrive $0xFFFF  }
0x198: {  	p0 =	sne.s32 s0, $0x0;
	s0 =	rddreg [dreg:$0x4]  }
0x199: {  	s0 =	sadd.s32 @!p0 $0x100000, s0  }
0x19a: {  	[sflag:s0] =	ssyncadd.tile.s32 @!p0 $0x1;
	_ =	shalt  }
.Lfunc_end2:
_tile_overlayer_lowered:
.L_overlay_start_2:
0x19b: {  	(tag) =	ssettag $0x2  }
0x19c: {  	s0 =	rddreg [dreg:$0x0];
	s2 =	stileid.u32  }
0x19d: {  	s1 =	rddreg [dreg:$0x1];
	p0 =	sne.s32 s2, $0x0  }
0x19e: {  	s3 =	rddreg [dreg:$0x2];
	[bflag:$0x3] =	sbarrier.arrive $0xFFFF;
	s2 =	simm.s32 @!p0 $0x1C05  }
0x19f: {  	[timem:s3], [sflag:s2] =	dma.local @!p0 [hbm:s0], s1  }
0x1a0: {  	s0 =	simm.s32 @!p0 $0x5  }
0x1a1: {  	_ =	swait.ge @!p0 [sflag:s0], s1  }
0x1a2: {  	s1 =	ssub.s32 @!p0 $0x0, s1;
	[sflag:s0] =	ssyncset.done @!p0 $0x0  }
0x1a3: {  	[sflag:s0] =	ssyncadd.s32 @!p0 s1  }
0x1a4: {  	[bflag:$0x3] =	sbarrier.arrive $0xFFFF  }
0x1a5: {  	_ =	shalt  }

</sc_bundles>
